<compile_context>
chip_gen: v7x
topology: tpu7x:2x2x1
jax: 0.10.2.dev20260603
libtpu: 0.0.44.dev20260713+nightly
codegen_flags: <defaults>
</compile_context>

<pallas_src>
import jax
import jax.numpy as jnp
from jax import lax
from jax.experimental import pallas as pl
from jax.experimental.pallas import tpu as pltpu
from jax.experimental.pallas import tpu_sc as plsc

_NUM_HEADS = 16
_BATCH = 8
_SEQ = 512
_SP = _SEQ + 1
_NC = 2
_QR = _SEQ // 4
_CH = 32
_NCHUNK = _QR // _CH


def _sc_attention_bias(emb_hbm, vb_hbm, adj_hbm, out_hbm,
                       w_v, vb_v, adj_v, out_v, brow_v):
    cid = lax.axis_index("c")
    sid = lax.axis_index("s")
    wid = sid * _NC + cid
    b = wid // 4
    q = wid % 4
    r0 = q * _QR

    pltpu.sync_copy(emb_hbm, w_v)
    pltpu.sync_copy(vb_hbm, vb_v)

    ii = lax.iota(jnp.int32, 16)
    zeros = jnp.zeros((16,), jnp.int32)

    def head_vecs(h):
        hsplat = jnp.full((16,), h, dtype=jnp.int32)
        w0v = plsc.load_gather(w_v, [zeros, hsplat])
        w1v = plsc.load_gather(w_v, [zeros + 1, hsplat])
        vbv = plsc.load_gather(vb_v, [zeros, hsplat])
        return w0v, w1v, vbv

    @pl.when(q == 0)
    def _():
        @pl.loop(0, _NUM_HEADS)
        def _(h):
            _, _, vbv = head_vecs(h)
            brow_v[pl.ds(0, 16)] = jnp.where(ii == 0, vbv * 2.0, vbv)
            for k in range(1, 32):
                brow_v[pl.ds(16 * k, 16)] = vbv
            plsc.store_scatter(brow_v, [ii + (_SP - 16)], vbv)
            pltpu.sync_copy(brow_v, out_hbm.at[b, h, 0])

    @pl.loop(0, _NCHUNK)
    def _(c):
        rbase = r0 + c * _CH
        pltpu.sync_copy(adj_hbm.at[b, pl.ds(rbase, _CH)], adj_v)

        @pl.loop(0, _NUM_HEADS)
        def _(h):
            w0v, w1v, vbv = head_vecs(h)
            dw = w1v - w0v

            @pl.loop(0, _CH)
            def _(r):
                rsplat = jnp.full((16,), r, dtype=jnp.int32)
                for k in range(32):
                    a = adj_v[r, pl.ds(16 * k, 16)]
                    val = w0v + a.astype(jnp.float32) * dw
                    plsc.store_scatter(out_v, [rsplat, ii + (16 * k + 1)], val)

            for j in range(_CH // 16):
                plsc.store_scatter(out_v, [ii + 16 * j, zeros], vbv)
            pltpu.sync_copy(out_v, out_hbm.at[b, h, pl.ds(1 + rbase, _CH)])


def kernel(adj_matrix, emb_table, virtual_bias):
    adj = adj_matrix.astype(jnp.int32)
    vb = virtual_bias.reshape(1, _NUM_HEADS)
    mesh = plsc.VectorSubcoreMesh(core_axis_name="c", subcore_axis_name="s")
    sc_kernel = pl.kernel(
        _sc_attention_bias,
        out_type=jax.ShapeDtypeStruct((_BATCH, _NUM_HEADS, _SP, _SP), jnp.float32),
        mesh=mesh,
        scratch_types=[
            pltpu.VMEM((2, 16), jnp.float32),
            pltpu.VMEM((1, 16), jnp.float32),
            pltpu.VMEM((_CH, _SEQ), jnp.int32),
            pltpu.VMEM((_CH, _SP), jnp.float32),
            pltpu.VMEM((_SP,), jnp.float32),
        ],
        compiler_params=pltpu.CompilerParams(use_tc_tiling_on_sc=False, needs_layout_passes=False),
    )
    return sc_kernel(emb_table, vb, adj)

# --- scband reference (transcript-rebuilt; emitter-appended) ---
"""Pipeline reference for scband-attention-bias-82300163326595 (READ-ONLY COPY).

The authoritative reference and input builder live on the scoring server;
editing this copy changes nothing except your own understanding.
"""

import jax, jax.numpy as jnp
import numpy as np

NUM_HEADS = 16
BATCH = 8
SEQ = 512


def setup_inputs(seed: int = 0) -> dict:
    key = jax.random.key(seed)
    k1, k2, k3 = jax.random.split(key, 3)
    adj_matrix = jax.random.randint(k1, (BATCH, SEQ, SEQ), 0, 2).astype(jnp.int64)
    # nn.Embedding(2, num_heads, padding_idx=0): row 0 is zeros
    emb_table = jax.random.normal(k2, (2, NUM_HEADS), dtype=jnp.float32)
    emb_table = emb_table.at[0].set(0.0)
    # xavier_uniform_ on tensor of shape (1, H, 1): fan_in = H*1, fan_out = 1*1
    bound = float(np.sqrt(6.0 / (NUM_HEADS + 1)))
    virtual_bias = jax.random.uniform(k3, (1, NUM_HEADS, 1), minval=-bound, maxval=bound, dtype=jnp.float32)
    return {"adj_matrix": adj_matrix, "emb_table": emb_table, "virtual_bias": virtual_bias}


def reference(adj_matrix, emb_table, virtual_bias):
    # embedding lookup: [B, S, S] -> [B, S, S, H]
    graph_bias = jnp.take(emb_table, adj_matrix, axis=0)
    # permute(0, 3, 1, 2): [B, H, S, S]
    graph_bias = jnp.transpose(graph_bias, (0, 3, 1, 2))
    # F.pad(x, (1, 0, 1, 0)): pad one zero at the start of the last two dims
    full_bias = jnp.pad(graph_bias, ((0, 0), (0, 0), (1, 0), (1, 0)))
    # add virtual token bias to first row and first column
    # virtual_bias has shape (1, H, 1) and broadcasts against (B, H, S+1)
    full_bias = full_bias.at[:, :, 0, :].add(virtual_bias)
    full_bias = full_bias.at[:, :, :, 0].add(virtual_bias)
    return full_bias

if __name__ == "__main__":
    import jax
    _d = setup_inputs()
    print(jax.jit(kernel)(*tuple(_d.values())))

</pallas_src>

<mosaic_0001>
#map = affine_map<(d0, d1) -> (0, 0)>
#map1 = affine_map<(d0, d1) -> (0, 0, 0)>
#map2 = affine_map<(d0, d1) -> (0, 0, 0, 0)>
module attributes {stable_mosaic.version = 14 : i64} {
  func.func @_sc_attention_bias(%arg0: i32, %arg1: i32, %arg2: memref<2x16xf32, #tpu.memory_space<hbm>>, %arg3: memref<1x16xf32, #tpu.memory_space<hbm>>, %arg4: memref<8x512x512xi32, #tpu.memory_space<hbm>>, %arg5: memref<8x16x513x513xf32, #tpu.memory_space<hbm>>, %arg6: memref<2x16xf32, #tpu.memory_space<vmem>>, %arg7: memref<1x16xf32, #tpu.memory_space<vmem>>, %arg8: memref<32x512xi32, #tpu.memory_space<vmem>>, %arg9: memref<32x513xf32, #tpu.memory_space<vmem>>, %arg10: memref<513xf32, #tpu.memory_space<vmem>>) attributes {dimension_semantics = [#tpu.dimension_semantics<core_parallel>, #tpu.dimension_semantics<subcore_parallel>], iteration_bounds = array<i64: 2, 16>, scalar_prefetch = 0 : i64, scratch_operands = 5 : i64, tpu.core_type = #tpu.core_type<sc_vector_subcore>, window_params = [{transform_indices = #map}, {transform_indices = #map}, {transform_indices = #map1}, {transform_indices = #map2}]} {
    %mul3A = arith.constant 2 : i32
    %mul3A_0 = arith.muli %arg1, %mul3A : i32
    %add3A = arith.addi %mul3A_0, %arg0 : i32
    %jit3A = arith.constant 4 : i32
    %div3A = arith.divsi %add3A, %jit3A : i32
    %sign3A = arith.constant 0 : i32
    %sign3A_1 = arith.cmpi sgt, %add3A, %sign3A : i32
    %sign3A_2 = arith.extui %sign3A_1 : i1 to i32
    %sign3A_3 = arith.constant 0 : i32
    %sign3A_4 = arith.cmpi slt, %add3A, %sign3A_3 : i32
    %sign3A_5 = arith.extui %sign3A_4 : i1 to i32
    %sign3A_6 = arith.subi %sign3A_2, %sign3A_5 : i32
    %sign3A_7 = arith.constant 0 : i32
    %sign3A_8 = arith.cmpi sgt, %jit3A, %sign3A_7 : i32
    %sign3A_9 = arith.extui %sign3A_8 : i1 to i32
    %sign3A_10 = arith.constant 0 : i32
    %sign3A_11 = arith.cmpi slt, %jit3A, %sign3A_10 : i32
    %sign3A_12 = arith.extui %sign3A_11 : i1 to i32
    %sign3A_13 = arith.subi %sign3A_9, %sign3A_12 : i32
    %ne3A = arith.cmpi ne, %sign3A_6, %sign3A_13 : i32
    %rem3A = arith.remsi %add3A, %jit3A : i32
    %ne3A_14 = arith.constant 0 : i32
    %ne3A_15 = arith.cmpi ne, %rem3A, %ne3A_14 : i32
    %and3A = arith.andi %ne3A, %ne3A_15 : i1
    %sub3A = arith.constant 1 : i32
    %sub3A_16 = arith.subi %div3A, %sub3A : i32
    %select_n3A = arith.select %and3A, %sub3A_16, %div3A : i32
    %jit3A_17 = arith.constant 4 : i32
    %eq3A = arith.constant 0 : i32
    %eq3A_18 = arith.cmpi eq, %jit3A_17, %eq3A : i32
    %jit3A_19 = arith.constant 1 : i32
    %select_n3A_20 = arith.select %eq3A_18, %jit3A_19, %jit3A_17 : i32
    %rem3A_21 = arith.remsi %add3A, %select_n3A_20 : i32
    %ne3A_22 = arith.constant 0 : i32
    %ne3A_23 = arith.cmpi ne, %rem3A_21, %ne3A_22 : i32
    %lt3A = arith.constant 0 : i32
    %lt3A_24 = arith.cmpi slt, %rem3A_21, %lt3A : i32
    %lt3A_25 = arith.constant 0 : i32
    %lt3A_26 = arith.cmpi slt, %select_n3A_20, %lt3A_25 : i32
    %ne3A_27 = arith.xori %lt3A_24, %lt3A_26 : i1
    %and3A_28 = arith.andi %ne3A_27, %ne3A_23 : i1
    %add3A_29 = arith.addi %rem3A_21, %select_n3A_20 : i32
    %select_n3A_30 = arith.select %and3A_28, %add3A_29, %rem3A_21 : i32
    %mul3A_31 = arith.constant 128 : i32
    %mul3A_32 = arith.muli %select_n3A_30, %mul3A_31 : i32
    "tpu.region"() ({
      %run_scoped3A = tpu.sem_alloc : memref<!tpu.dma_semaphore, #tpu.memory_space<semaphore_mem>>
      tpu.enqueue_dma source(%arg2 : memref<2x16xf32, #tpu.memory_space<hbm>>) target(%arg6 : memref<2x16xf32, #tpu.memory_space<vmem>>) target_semaphore(%run_scoped3A : memref<!tpu.dma_semaphore, #tpu.memory_space<semaphore_mem>>)
      tpu.wait_dma2 semaphore(%run_scoped3A : memref<!tpu.dma_semaphore, #tpu.memory_space<semaphore_mem>>) src(%arg2 : memref<2x16xf32, #tpu.memory_space<hbm>>) dst(%arg6 : memref<2x16xf32, #tpu.memory_space<vmem>>)
      tpu.yield
    }) : () -> ()
    "tpu.region"() ({
      %run_scoped3A = tpu.sem_alloc : memref<!tpu.dma_semaphore, #tpu.memory_space<semaphore_mem>>
      tpu.enqueue_dma source(%arg3 : memref<1x16xf32, #tpu.memory_space<hbm>>) target(%arg7 : memref<1x16xf32, #tpu.memory_space<vmem>>) target_semaphore(%run_scoped3A : memref<!tpu.dma_semaphore, #tpu.memory_space<semaphore_mem>>)
      tpu.wait_dma2 semaphore(%run_scoped3A : memref<!tpu.dma_semaphore, #tpu.memory_space<semaphore_mem>>) src(%arg3 : memref<1x16xf32, #tpu.memory_space<hbm>>) dst(%arg7 : memref<1x16xf32, #tpu.memory_space<vmem>>)
      tpu.yield
    }) : () -> ()
    %iota3A = tpu.iota {dimensions = array<i32: 0>} : vector<16xi32>
    %broadcast_in_dim3A = arith.constant 0 : i32
    %broadcast_in_dim3A_33 = vector.broadcast %broadcast_in_dim3A : i32 to vector<16xi32>
    %eq3A_34 = arith.constant 0 : i32
    %eq3A_35 = arith.cmpi eq, %select_n3A_30, %eq3A_34 : i32
    %convert_element_type3A = arith.extui %eq3A_35 : i1 to i32
    %cond3A = arith.constant 0 : i32
    %cond3A_36 = arith.cmpi ne, %convert_element_type3A, %cond3A : i32
    scf.if %cond3A_36 {
      %scan3A_41 = arith.constant 0 : i32
      %scan3A_42 = arith.constant 16 : i32
      %scan3A_43 = arith.addi %scan3A_41, %scan3A_42 : i32
      %scan3A_44 = arith.constant 1 : i32
      scf.for %scan3A_46 = %scan3A_41 to %scan3A_43 step %scan3A_44  : i32 {
        %mul3A_47 = arith.constant 1 : i32
        %mul3A_48 = arith.muli %scan3A_46, %mul3A_47 : i32
        %add3A_49 = arith.constant 0 : i32
        %add3A_50 = arith.addi %add3A_49, %mul3A_48 : i32
        %broadcast_in_dim3A_51 = vector.broadcast %add3A_50 : i32 to vector<16xi32>
        %gather3A = tpu.vector_load_idx %arg6[%broadcast_in_dim3A_33, %broadcast_in_dim3A_51] : memref<2x16xf32, #tpu.memory_space<vmem>>[vector<16xi32>, vector<16xi32>], vector<16xf32>,
        %add3A_52 = arith.constant 1 : i32
        %add3A_53 = vector.broadcast %add3A_52 : i32 to vector<16xi32>
        %add3A_54 = arith.addi %broadcast_in_dim3A_33, %add3A_53 : vector<16xi32>
        %gather3A_55 = tpu.vector_load_idx %arg6[%add3A_54, %broadcast_in_dim3A_51] : memref<2x16xf32, #tpu.memory_space<vmem>>[vector<16xi32>, vector<16xi32>], vector<16xf32>,
        %gather3A_56 = tpu.vector_load_idx %arg7[%broadcast_in_dim3A_33, %broadcast_in_dim3A_51] : memref<1x16xf32, #tpu.memory_space<vmem>>[vector<16xi32>, vector<16xi32>], vector<16xf32>,
        %eq3A_57 = arith.constant 0 : i32
        %eq3A_58 = vector.broadcast %eq3A_57 : i32 to vector<16xi32>
        %eq3A_59 = arith.cmpi eq, %iota3A, %eq3A_58 : vector<16xi32>
        %mul3A_60 = arith.constant 2.000000e+00 : f32
        %mul3A_61 = vector.broadcast %mul3A_60 : f32 to vector<16xf32>
        %mul3A_62 = arith.mulf %gather3A_56, %mul3A_61 : vector<16xf32>
        %select_n3A_63 = arith.select %eq3A_59, %mul3A_62, %gather3A_56 : vector<16xi1>, vector<16xf32>
        %swap3A = arith.constant 0 : index
        %swap3A_64 = tpu.vector_load %arg10[%swap3A] {strides = array<i32>} : memref<513xf32, #tpu.memory_space<vmem>>, vector<16xf32>,
        tpu.vector_store %arg10[%swap3A], %select_n3A_63 {strides = array<i32>} : memref<513xf32, #tpu.memory_space<vmem>>, vector<16xf32>,
        %swap3A_65 = arith.constant 16 : index
        %swap3A_66 = tpu.vector_load %arg10[%swap3A_65] {strides = array<i32>} : memref<513xf32, #tpu.memory_space<vmem>>, vector<16xf32>,
        tpu.vector_store %arg10[%swap3A_65], %gather3A_56 {strides = array<i32>} : memref<513xf32, #tpu.memory_space<vmem>>, vector<16xf32>,
        %swap3A_67 = arith.constant 32 : index
        %swap3A_68 = tpu.vector_load %arg10[%swap3A_67] {strides = array<i32>} : memref<513xf32, #tpu.memory_space<vmem>>, vector<16xf32>,
        tpu.vector_store %arg10[%swap3A_67], %gather3A_56 {strides = array<i32>} : memref<513xf32, #tpu.memory_space<vmem>>, vector<16xf32>,
        %swap3A_69 = arith.constant 48 : index
        %swap3A_70 = tpu.vector_load %arg10[%swap3A_69] {strides = array<i32>} : memref<513xf32, #tpu.memory_space<vmem>>, vector<16xf32>,
        tpu.vector_store %arg10[%swap3A_69], %gather3A_56 {strides = array<i32>} : memref<513xf32, #tpu.memory_space<vmem>>, vector<16xf32>,
        %swap3A_71 = arith.constant 64 : index
        %swap3A_72 = tpu.vector_load %arg10[%swap3A_71] {strides = array<i32>} : memref<513xf32, #tpu.memory_space<vmem>>, vector<16xf32>,
        tpu.vector_store %arg10[%swap3A_71], %gather3A_56 {strides = array<i32>} : memref<513xf32, #tpu.memory_space<vmem>>, vector<16xf32>,
        %swap3A_73 = arith.constant 80 : index
        %swap3A_74 = tpu.vector_load %arg10[%swap3A_73] {strides = array<i32>} : memref<513xf32, #tpu.memory_space<vmem>>, vector<16xf32>,
        tpu.vector_store %arg10[%swap3A_73], %gather3A_56 {strides = array<i32>} : memref<513xf32, #tpu.memory_space<vmem>>, vector<16xf32>,
        %swap3A_75 = arith.constant 96 : index
        %swap3A_76 = tpu.vector_load %arg10[%swap3A_75] {strides = array<i32>} : memref<513xf32, #tpu.memory_space<vmem>>, vector<16xf32>,
        tpu.vector_store %arg10[%swap3A_75], %gather3A_56 {strides = array<i32>} : memref<513xf32, #tpu.memory_space<vmem>>, vector<16xf32>,
        %swap3A_77 = arith.constant 112 : index
        %swap3A_78 = tpu.vector_load %arg10[%swap3A_77] {strides = array<i32>} : memref<513xf32, #tpu.memory_space<vmem>>, vector<16xf32>,
        tpu.vector_store %arg10[%swap3A_77], %gather3A_56 {strides = array<i32>} : memref<513xf32, #tpu.memory_space<vmem>>, vector<16xf32>,
        %swap3A_79 = arith.constant 128 : index
        %swap3A_80 = tpu.vector_load %arg10[%swap3A_79] {strides = array<i32>} : memref<513xf32, #tpu.memory_space<vmem>>, vector<16xf32>,
        tpu.vector_store %arg10[%swap3A_79], %gather3A_56 {strides = array<i32>} : memref<513xf32, #tpu.memory_space<vmem>>, vector<16xf32>,
        %swap3A_81 = arith.constant 144 : index
        %swap3A_82 = tpu.vector_load %arg10[%swap3A_81] {strides = array<i32>} : memref<513xf32, #tpu.memory_space<vmem>>, vector<16xf32>,
        tpu.vector_store %arg10[%swap3A_81], %gather3A_56 {strides = array<i32>} : memref<513xf32, #tpu.memory_space<vmem>>, vector<16xf32>,
        %swap3A_83 = arith.constant 160 : index
        %swap3A_84 = tpu.vector_load %arg10[%swap3A_83] {strides = array<i32>} : memref<513xf32, #tpu.memory_space<vmem>>, vector<16xf32>,
        tpu.vector_store %arg10[%swap3A_83], %gather3A_56 {strides = array<i32>} : memref<513xf32, #tpu.memory_space<vmem>>, vector<16xf32>,
        %swap3A_85 = arith.constant 176 : index
        %swap3A_86 = tpu.vector_load %arg10[%swap3A_85] {strides = array<i32>} : memref<513xf32, #tpu.memory_space<vmem>>, vector<16xf32>,
        tpu.vector_store %arg10[%swap3A_85], %gather3A_56 {strides = array<i32>} : memref<513xf32, #tpu.memory_space<vmem>>, vector<16xf32>,
        %swap3A_87 = arith.constant 192 : index
        %swap3A_88 = tpu.vector_load %arg10[%swap3A_87] {strides = array<i32>} : memref<513xf32, #tpu.memory_space<vmem>>, vector<16xf32>,
        tpu.vector_store %arg10[%swap3A_87], %gather3A_56 {strides = array<i32>} : memref<513xf32, #tpu.memory_space<vmem>>, vector<16xf32>,
        %swap3A_89 = arith.constant 208 : index
        %swap3A_90 = tpu.vector_load %arg10[%swap3A_89] {strides = array<i32>} : memref<513xf32, #tpu.memory_space<vmem>>, vector<16xf32>,
        tpu.vector_store %arg10[%swap3A_89], %gather3A_56 {strides = array<i32>} : memref<513xf32, #tpu.memory_space<vmem>>, vector<16xf32>,
        %swap3A_91 = arith.constant 224 : index
        %swap3A_92 = tpu.vector_load %arg10[%swap3A_91] {strides = array<i32>} : memref<513xf32, #tpu.memory_space<vmem>>, vector<16xf32>,
        tpu.vector_store %arg10[%swap3A_91], %gather3A_56 {strides = array<i32>} : memref<513xf32, #tpu.memory_space<vmem>>, vector<16xf32>,
        %swap3A_93 = arith.constant 240 : index
        %swap3A_94 = tpu.vector_load %arg10[%swap3A_93] {strides = array<i32>} : memref<513xf32, #tpu.memory_space<vmem>>, vector<16xf32>,
        tpu.vector_store %arg10[%swap3A_93], %gather3A_56 {strides = array<i32>} : memref<513xf32, #tpu.memory_space<vmem>>, vector<16xf32>,
        %swap3A_95 = arith.constant 256 : index
        %swap3A_96 = tpu.vector_load %arg10[%swap3A_95] {strides = array<i32>} : memref<513xf32, #tpu.memory_space<vmem>>, vector<16xf32>,
        tpu.vector_store %arg10[%swap3A_95], %gather3A_56 {strides = array<i32>} : memref<513xf32, #tpu.memory_space<vmem>>, vector<16xf32>,
        %swap3A_97 = arith.constant 272 : index
        %swap3A_98 = tpu.vector_load %arg10[%swap3A_97] {strides = array<i32>} : memref<513xf32, #tpu.memory_space<vmem>>, vector<16xf32>,
        tpu.vector_store %arg10[%swap3A_97], %gather3A_56 {strides = array<i32>} : memref<513xf32, #tpu.memory_space<vmem>>, vector<16xf32>,
        %swap3A_99 = arith.constant 288 : index
        %swap3A_100 = tpu.vector_load %arg10[%swap3A_99] {strides = array<i32>} : memref<513xf32, #tpu.memory_space<vmem>>, vector<16xf32>,
        tpu.vector_store %arg10[%swap3A_99], %gather3A_56 {strides = array<i32>} : memref<513xf32, #tpu.memory_space<vmem>>, vector<16xf32>,
        %swap3A_101 = arith.constant 304 : index
        %swap3A_102 = tpu.vector_load %arg10[%swap3A_101] {strides = array<i32>} : memref<513xf32, #tpu.memory_space<vmem>>, vector<16xf32>,
        tpu.vector_store %arg10[%swap3A_101], %gather3A_56 {strides = array<i32>} : memref<513xf32, #tpu.memory_space<vmem>>, vector<16xf32>,
        %swap3A_103 = arith.constant 320 : index
        %swap3A_104 = tpu.vector_load %arg10[%swap3A_103] {strides = array<i32>} : memref<513xf32, #tpu.memory_space<vmem>>, vector<16xf32>,
        tpu.vector_store %arg10[%swap3A_103], %gather3A_56 {strides = array<i32>} : memref<513xf32, #tpu.memory_space<vmem>>, vector<16xf32>,
        %swap3A_105 = arith.constant 336 : index
        %swap3A_106 = tpu.vector_load %arg10[%swap3A_105] {strides = array<i32>} : memref<513xf32, #tpu.memory_space<vmem>>, vector<16xf32>,
        tpu.vector_store %arg10[%swap3A_105], %gather3A_56 {strides = array<i32>} : memref<513xf32, #tpu.memory_space<vmem>>, vector<16xf32>,
        %swap3A_107 = arith.constant 352 : index
        %swap3A_108 = tpu.vector_load %arg10[%swap3A_107] {strides = array<i32>} : memref<513xf32, #tpu.memory_space<vmem>>, vector<16xf32>,
        tpu.vector_store %arg10[%swap3A_107], %gather3A_56 {strides = array<i32>} : memref<513xf32, #tpu.memory_space<vmem>>, vector<16xf32>,
        %swap3A_109 = arith.constant 368 : index
        %swap3A_110 = tpu.vector_load %arg10[%swap3A_109] {strides = array<i32>} : memref<513xf32, #tpu.memory_space<vmem>>, vector<16xf32>,
        tpu.vector_store %arg10[%swap3A_109], %gather3A_56 {strides = array<i32>} : memref<513xf32, #tpu.memory_space<vmem>>, vector<16xf32>,
        %swap3A_111 = arith.constant 384 : index
        %swap3A_112 = tpu.vector_load %arg10[%swap3A_111] {strides = array<i32>} : memref<513xf32, #tpu.memory_space<vmem>>, vector<16xf32>,
        tpu.vector_store %arg10[%swap3A_111], %gather3A_56 {strides = array<i32>} : memref<513xf32, #tpu.memory_space<vmem>>, vector<16xf32>,
        %swap3A_113 = arith.constant 400 : index
        %swap3A_114 = tpu.vector_load %arg10[%swap3A_113] {strides = array<i32>} : memref<513xf32, #tpu.memory_space<vmem>>, vector<16xf32>,
        tpu.vector_store %arg10[%swap3A_113], %gather3A_56 {strides = array<i32>} : memref<513xf32, #tpu.memory_space<vmem>>, vector<16xf32>,
        %swap3A_115 = arith.constant 416 : index
        %swap3A_116 = tpu.vector_load %arg10[%swap3A_115] {strides = array<i32>} : memref<513xf32, #tpu.memory_space<vmem>>, vector<16xf32>,
        tpu.vector_store %arg10[%swap3A_115], %gather3A_56 {strides = array<i32>} : memref<513xf32, #tpu.memory_space<vmem>>, vector<16xf32>,
        %swap3A_117 = arith.constant 432 : index
        %swap3A_118 = tpu.vector_load %arg10[%swap3A_117] {strides = array<i32>} : memref<513xf32, #tpu.memory_space<vmem>>, vector<16xf32>,
        tpu.vector_store %arg10[%swap3A_117], %gather3A_56 {strides = array<i32>} : memref<513xf32, #tpu.memory_space<vmem>>, vector<16xf32>,
        %swap3A_119 = arith.constant 448 : index
        %swap3A_120 = tpu.vector_load %arg10[%swap3A_119] {strides = array<i32>} : memref<513xf32, #tpu.memory_space<vmem>>, vector<16xf32>,
        tpu.vector_store %arg10[%swap3A_119], %gather3A_56 {strides = array<i32>} : memref<513xf32, #tpu.memory_space<vmem>>, vector<16xf32>,
        %swap3A_121 = arith.constant 464 : index
        %swap3A_122 = tpu.vector_load %arg10[%swap3A_121] {strides = array<i32>} : memref<513xf32, #tpu.memory_space<vmem>>, vector<16xf32>,
        tpu.vector_store %arg10[%swap3A_121], %gather3A_56 {strides = array<i32>} : memref<513xf32, #tpu.memory_space<vmem>>, vector<16xf32>,
        %swap3A_123 = arith.constant 480 : index
        %swap3A_124 = tpu.vector_load %arg10[%swap3A_123] {strides = array<i32>} : memref<513xf32, #tpu.memory_space<vmem>>, vector<16xf32>,
        tpu.vector_store %arg10[%swap3A_123], %gather3A_56 {strides = array<i32>} : memref<513xf32, #tpu.memory_space<vmem>>, vector<16xf32>,
        %swap3A_125 = arith.constant 496 : index
        %swap3A_126 = tpu.vector_load %arg10[%swap3A_125] {strides = array<i32>} : memref<513xf32, #tpu.memory_space<vmem>>, vector<16xf32>,
        tpu.vector_store %arg10[%swap3A_125], %gather3A_56 {strides = array<i32>} : memref<513xf32, #tpu.memory_space<vmem>>, vector<16xf32>,
        %add3A_127 = arith.constant 497 : i32
        %add3A_128 = vector.broadcast %add3A_127 : i32 to vector<16xi32>
        %add3A_129 = arith.addi %iota3A, %add3A_128 : vector<16xi32>
        tpu.vector_store_idx %arg10[%add3A_129], %gather3A_56 : memref<513xf32, #tpu.memory_space<vmem>>[vector<16xi32>], vector<16xf32>,
        %run_scoped3A = arith.constant 0 : i32
        "tpu.region"() ({
          %run_scoped3A_130 = tpu.sem_alloc : memref<!tpu.dma_semaphore, #tpu.memory_space<semaphore_mem>>
          %dma_start3A = arith.constant 0 : i32
          %dma_start3A_131 = tpu.memref_slice %arg5[%select_n3A, %add3A_50, %run_scoped3A, %dma_start3A] : memref<8x16x513x513xf32, #tpu.memory_space<hbm>> -> memref<1x1x1x513xf32, #tpu.memory_space<hbm>>
          %dma_start3A_132 = tpu.memref_squeeze %dma_start3A_131 : memref<1x1x1x513xf32, #tpu.memory_space<hbm>> -> memref<513xf32, #tpu.memory_space<hbm>>
          %dma_start3A_133 = arith.constant 0 : i32
          %dma_start3A_134 = tpu.memref_slice %arg5[%select_n3A, %add3A_50, %run_scoped3A, %dma_start3A_133] : memref<8x16x513x513xf32, #tpu.memory_space<hbm>> -> memref<1x1x1x513xf32, #tpu.memory_space<hbm>>
          %dma_start3A_135 = tpu.memref_squeeze %dma_start3A_134 : memref<1x1x1x513xf32, #tpu.memory_space<hbm>> -> memref<513xf32, #tpu.memory_space<hbm>>
          tpu.enqueue_dma source(%arg10 : memref<513xf32, #tpu.memory_space<vmem>>) target(%dma_start3A_135 : memref<513xf32, #tpu.memory_space<hbm>>) target_semaphore(%run_scoped3A_130 : memref<!tpu.dma_semaphore, #tpu.memory_space<semaphore_mem>>)
          %dma_wait3A = arith.constant 0 : i32
          %dma_wait3A_136 = tpu.memref_slice %arg5[%select_n3A, %add3A_50, %run_scoped3A, %dma_wait3A] : memref<8x16x513x513xf32, #tpu.memory_space<hbm>> -> memref<1x1x1x513xf32, #tpu.memory_space<hbm>>
          %dma_wait3A_137 = tpu.memref_squeeze %dma_wait3A_136 : memref<1x1x1x513xf32, #tpu.memory_space<hbm>> -> memref<513xf32, #tpu.memory_space<hbm>>
          %dma_wait3A_138 = arith.constant 0 : i32
          %dma_wait3A_139 = tpu.memref_slice %arg5[%select_n3A, %add3A_50, %run_scoped3A, %dma_wait3A_138] : memref<8x16x513x513xf32, #tpu.memory_space<hbm>> -> memref<1x1x1x513xf32, #tpu.memory_space<hbm>>
          %dma_wait3A_140 = tpu.memref_squeeze %dma_wait3A_139 : memref<1x1x1x513xf32, #tpu.memory_space<hbm>> -> memref<513xf32, #tpu.memory_space<hbm>>
          tpu.wait_dma2 semaphore(%run_scoped3A_130 : memref<!tpu.dma_semaphore, #tpu.memory_space<semaphore_mem>>) src(%arg10 : memref<513xf32, #tpu.memory_space<vmem>>) dst(%dma_wait3A_140 : memref<513xf32, #tpu.memory_space<hbm>>)
          tpu.yield
        }) : () -> ()
      }
      %scan3A_45 = arith.constant 16 : i32
    } else {
    }
    %scan3A = arith.constant 0 : i32
    %scan3A_37 = arith.constant 4 : i32
    %scan3A_38 = arith.addi %scan3A, %scan3A_37 : i32
    %scan3A_39 = arith.constant 1 : i32
    scf.for %scan3A_41 = %scan3A to %scan3A_38 step %scan3A_39  : i32 {
      %mul3A_42 = arith.constant 1 : i32
      %mul3A_43 = arith.muli %scan3A_41, %mul3A_42 : i32
      %add3A_44 = arith.constant 0 : i32
      %add3A_45 = arith.addi %add3A_44, %mul3A_43 : i32
      %mul3A_46 = arith.constant 32 : i32
      %mul3A_47 = arith.muli %add3A_45, %mul3A_46 : i32
      %add3A_48 = arith.addi %mul3A_32, %mul3A_47 : i32
      "tpu.region"() ({
        %run_scoped3A = tpu.sem_alloc : memref<!tpu.dma_semaphore, #tpu.memory_space<semaphore_mem>>
        %dma_start3A = arith.constant 0 : i32
        %dma_start3A_54 = tpu.memref_slice %arg4[%select_n3A, %add3A_48, %dma_start3A] : memref<8x512x512xi32, #tpu.memory_space<hbm>> -> memref<1x32x512xi32, #tpu.memory_space<hbm>>
        %dma_start3A_55 = tpu.memref_squeeze %dma_start3A_54 : memref<1x32x512xi32, #tpu.memory_space<hbm>> -> memref<32x512xi32, #tpu.memory_space<hbm>>
        %dma_start3A_56 = arith.constant 0 : i32
        %dma_start3A_57 = tpu.memref_slice %arg4[%select_n3A, %add3A_48, %dma_start3A_56] : memref<8x512x512xi32, #tpu.memory_space<hbm>> -> memref<1x32x512xi32, #tpu.memory_space<hbm>>
        %dma_start3A_58 = tpu.memref_squeeze %dma_start3A_57 : memref<1x32x512xi32, #tpu.memory_space<hbm>> -> memref<32x512xi32, #tpu.memory_space<hbm>>
        tpu.enqueue_dma source(%dma_start3A_58 : memref<32x512xi32, #tpu.memory_space<hbm>>) target(%arg8 : memref<32x512xi32, #tpu.memory_space<vmem>>) target_semaphore(%run_scoped3A : memref<!tpu.dma_semaphore, #tpu.memory_space<semaphore_mem>>)
        %dma_wait3A = arith.constant 0 : i32
        %dma_wait3A_59 = tpu.memref_slice %arg4[%select_n3A, %add3A_48, %dma_wait3A] : memref<8x512x512xi32, #tpu.memory_space<hbm>> -> memref<1x32x512xi32, #tpu.memory_space<hbm>>
        %dma_wait3A_60 = tpu.memref_squeeze %dma_wait3A_59 : memref<1x32x512xi32, #tpu.memory_space<hbm>> -> memref<32x512xi32, #tpu.memory_space<hbm>>
        %dma_wait3A_61 = arith.constant 0 : i32
        %dma_wait3A_62 = tpu.memref_slice %arg4[%select_n3A, %add3A_48, %dma_wait3A_61] : memref<8x512x512xi32, #tpu.memory_space<hbm>> -> memref<1x32x512xi32, #tpu.memory_space<hbm>>
        %dma_wait3A_63 = tpu.memref_squeeze %dma_wait3A_62 : memref<1x32x512xi32, #tpu.memory_space<hbm>> -> memref<32x512xi32, #tpu.memory_space<hbm>>
        tpu.wait_dma2 semaphore(%run_scoped3A : memref<!tpu.dma_semaphore, #tpu.memory_space<semaphore_mem>>) src(%dma_wait3A_63 : memref<32x512xi32, #tpu.memory_space<hbm>>) dst(%arg8 : memref<32x512xi32, #tpu.memory_space<vmem>>)
        tpu.yield
      }) : () -> ()
      %scan3A_49 = arith.constant 0 : i32
      %scan3A_50 = arith.constant 16 : i32
      %scan3A_51 = arith.addi %scan3A_49, %scan3A_50 : i32
      %scan3A_52 = arith.constant 1 : i32
      scf.for %scan3A_54 = %scan3A_49 to %scan3A_51 step %scan3A_52  : i32 {
        %mul3A_55 = arith.constant 1 : i32
        %mul3A_56 = arith.muli %scan3A_54, %mul3A_55 : i32
        %add3A_57 = arith.constant 0 : i32
        %add3A_58 = arith.addi %add3A_57, %mul3A_56 : i32
        %broadcast_in_dim3A_59 = vector.broadcast %add3A_58 : i32 to vector<16xi32>
        %gather3A = tpu.vector_load_idx %arg6[%broadcast_in_dim3A_33, %broadcast_in_dim3A_59] : memref<2x16xf32, #tpu.memory_space<vmem>>[vector<16xi32>, vector<16xi32>], vector<16xf32>,
        %add3A_60 = arith.constant 1 : i32
        %add3A_61 = vector.broadcast %add3A_60 : i32 to vector<16xi32>
        %add3A_62 = arith.addi %broadcast_in_dim3A_33, %add3A_61 : vector<16xi32>
        %gather3A_63 = tpu.vector_load_idx %arg6[%add3A_62, %broadcast_in_dim3A_59] : memref<2x16xf32, #tpu.memory_space<vmem>>[vector<16xi32>, vector<16xi32>], vector<16xf32>,
        %gather3A_64 = tpu.vector_load_idx %arg7[%broadcast_in_dim3A_33, %broadcast_in_dim3A_59] : memref<1x16xf32, #tpu.memory_space<vmem>>[vector<16xi32>, vector<16xi32>], vector<16xf32>,
        %sub3A_65 = arith.subf %gather3A_63, %gather3A : vector<16xf32>
        %scan3A_66 = arith.constant 0 : i32
        %scan3A_67 = arith.constant 32 : i32
        %scan3A_68 = arith.addi %scan3A_66, %scan3A_67 : i32
        %scan3A_69 = arith.constant 1 : i32
        scf.for %scan3A_79 = %scan3A_66 to %scan3A_68 step %scan3A_69  : i32 {
          %mul3A_80 = arith.constant 1 : i32
          %mul3A_81 = arith.muli %scan3A_79, %mul3A_80 : i32
          %add3A_82 = arith.constant 0 : i32
          %add3A_83 = arith.addi %add3A_82, %mul3A_81 : i32
          %broadcast_in_dim3A_84 = vector.broadcast %add3A_83 : i32 to vector<16xi32>
          %get3A = arith.index_cast %add3A_83 : i32 to index
          %get3A_85 = arith.constant 0 : index
          %get3A_86 = tpu.vector_load %arg8[%get3A, %get3A_85] {strides = array<i32>} : memref<32x512xi32, #tpu.memory_space<vmem>>, vector<16xi32>,
          %convert_element_type3A_87 = arith.sitofp %get3A_86 : vector<16xi32> to vector<16xf32>
          %mul3A_88 = arith.mulf %convert_element_type3A_87, %sub3A_65 : vector<16xf32>
          %add3A_89 = arith.addf %gather3A, %mul3A_88 : vector<16xf32>
          %add3A_90 = arith.constant 1 : i32
          %add3A_91 = vector.broadcast %add3A_90 : i32 to vector<16xi32>
          %add3A_92 = arith.addi %iota3A, %add3A_91 : vector<16xi32>
          tpu.vector_store_idx %arg9[%broadcast_in_dim3A_84, %add3A_92], %add3A_89 : memref<32x513xf32, #tpu.memory_space<vmem>>[vector<16xi32>, vector<16xi32>], vector<16xf32>,
          %get3A_93 = arith.index_cast %add3A_83 : i32 to index
          %get3A_94 = arith.constant 16 : index
          %get3A_95 = tpu.vector_load %arg8[%get3A_93, %get3A_94] {strides = array<i32>} : memref<32x512xi32, #tpu.memory_space<vmem>>, vector<16xi32>,
          %convert_element_type3A_96 = arith.sitofp %get3A_95 : vector<16xi32> to vector<16xf32>
          %mul3A_97 = arith.mulf %convert_element_type3A_96, %sub3A_65 : vector<16xf32>
          %add3A_98 = arith.addf %gather3A, %mul3A_97 : vector<16xf32>
          %add3A_99 = arith.constant 17 : i32
          %add3A_100 = vector.broadcast %add3A_99 : i32 to vector<16xi32>
          %add3A_101 = arith.addi %iota3A, %add3A_100 : vector<16xi32>
          tpu.vector_store_idx %arg9[%broadcast_in_dim3A_84, %add3A_101], %add3A_98 : memref<32x513xf32, #tpu.memory_space<vmem>>[vector<16xi32>, vector<16xi32>], vector<16xf32>,
          %get3A_102 = arith.index_cast %add3A_83 : i32 to index
          %get3A_103 = arith.constant 32 : index
          %get3A_104 = tpu.vector_load %arg8[%get3A_102, %get3A_103] {strides = array<i32>} : memref<32x512xi32, #tpu.memory_space<vmem>>, vector<16xi32>,
          %convert_element_type3A_105 = arith.sitofp %get3A_104 : vector<16xi32> to vector<16xf32>
          %mul3A_106 = arith.mulf %convert_element_type3A_105, %sub3A_65 : vector<16xf32>
          %add3A_107 = arith.addf %gather3A, %mul3A_106 : vector<16xf32>
          %add3A_108 = arith.constant 33 : i32
          %add3A_109 = vector.broadcast %add3A_108 : i32 to vector<16xi32>
          %add3A_110 = arith.addi %iota3A, %add3A_109 : vector<16xi32>
          tpu.vector_store_idx %arg9[%broadcast_in_dim3A_84, %add3A_110], %add3A_107 : memref<32x513xf32, #tpu.memory_space<vmem>>[vector<16xi32>, vector<16xi32>], vector<16xf32>,
          %get3A_111 = arith.index_cast %add3A_83 : i32 to index
          %get3A_112 = arith.constant 48 : index
          %get3A_113 = tpu.vector_load %arg8[%get3A_111, %get3A_112] {strides = array<i32>} : memref<32x512xi32, #tpu.memory_space<vmem>>, vector<16xi32>,
          %convert_element_type3A_114 = arith.sitofp %get3A_113 : vector<16xi32> to vector<16xf32>
          %mul3A_115 = arith.mulf %convert_element_type3A_114, %sub3A_65 : vector<16xf32>
          %add3A_116 = arith.addf %gather3A, %mul3A_115 : vector<16xf32>
          %add3A_117 = arith.constant 49 : i32
          %add3A_118 = vector.broadcast %add3A_117 : i32 to vector<16xi32>
          %add3A_119 = arith.addi %iota3A, %add3A_118 : vector<16xi32>
          tpu.vector_store_idx %arg9[%broadcast_in_dim3A_84, %add3A_119], %add3A_116 : memref<32x513xf32, #tpu.memory_space<vmem>>[vector<16xi32>, vector<16xi32>], vector<16xf32>,
          %get3A_120 = arith.index_cast %add3A_83 : i32 to index
          %get3A_121 = arith.constant 64 : index
          %get3A_122 = tpu.vector_load %arg8[%get3A_120, %get3A_121] {strides = array<i32>} : memref<32x512xi32, #tpu.memory_space<vmem>>, vector<16xi32>,
          %convert_element_type3A_123 = arith.sitofp %get3A_122 : vector<16xi32> to vector<16xf32>
          %mul3A_124 = arith.mulf %convert_element_type3A_123, %sub3A_65 : vector<16xf32>
          %add3A_125 = arith.addf %gather3A, %mul3A_124 : vector<16xf32>
          %add3A_126 = arith.constant 65 : i32
          %add3A_127 = vector.broadcast %add3A_126 : i32 to vector<16xi32>
          %add3A_128 = arith.addi %iota3A, %add3A_127 : vector<16xi32>
          tpu.vector_store_idx %arg9[%broadcast_in_dim3A_84, %add3A_128], %add3A_125 : memref<32x513xf32, #tpu.memory_space<vmem>>[vector<16xi32>, vector<16xi32>], vector<16xf32>,
          %get3A_129 = arith.index_cast %add3A_83 : i32 to index
          %get3A_130 = arith.constant 80 : index
          %get3A_131 = tpu.vector_load %arg8[%get3A_129, %get3A_130] {strides = array<i32>} : memref<32x512xi32, #tpu.memory_space<vmem>>, vector<16xi32>,
          %convert_element_type3A_132 = arith.sitofp %get3A_131 : vector<16xi32> to vector<16xf32>
          %mul3A_133 = arith.mulf %convert_element_type3A_132, %sub3A_65 : vector<16xf32>
          %add3A_134 = arith.addf %gather3A, %mul3A_133 : vector<16xf32>
          %add3A_135 = arith.constant 81 : i32
          %add3A_136 = vector.broadcast %add3A_135 : i32 to vector<16xi32>
          %add3A_137 = arith.addi %iota3A, %add3A_136 : vector<16xi32>
          tpu.vector_store_idx %arg9[%broadcast_in_dim3A_84, %add3A_137], %add3A_134 : memref<32x513xf32, #tpu.memory_space<vmem>>[vector<16xi32>, vector<16xi32>], vector<16xf32>,
          %get3A_138 = arith.index_cast %add3A_83 : i32 to index
          %get3A_139 = arith.constant 96 : index
          %get3A_140 = tpu.vector_load %arg8[%get3A_138, %get3A_139] {strides = array<i32>} : memref<32x512xi32, #tpu.memory_space<vmem>>, vector<16xi32>,
          %convert_element_type3A_141 = arith.sitofp %get3A_140 : vector<16xi32> to vector<16xf32>
          %mul3A_142 = arith.mulf %convert_element_type3A_141, %sub3A_65 : vector<16xf32>
          %add3A_143 = arith.addf %gather3A, %mul3A_142 : vector<16xf32>
          %add3A_144 = arith.constant 97 : i32
          %add3A_145 = vector.broadcast %add3A_144 : i32 to vector<16xi32>
          %add3A_146 = arith.addi %iota3A, %add3A_145 : vector<16xi32>
          tpu.vector_store_idx %arg9[%broadcast_in_dim3A_84, %add3A_146], %add3A_143 : memref<32x513xf32, #tpu.memory_space<vmem>>[vector<16xi32>, vector<16xi32>], vector<16xf32>,
          %get3A_147 = arith.index_cast %add3A_83 : i32 to index
          %get3A_148 = arith.constant 112 : index
          %get3A_149 = tpu.vector_load %arg8[%get3A_147, %get3A_148] {strides = array<i32>} : memref<32x512xi32, #tpu.memory_space<vmem>>, vector<16xi32>,
          %convert_element_type3A_150 = arith.sitofp %get3A_149 : vector<16xi32> to vector<16xf32>
          %mul3A_151 = arith.mulf %convert_element_type3A_150, %sub3A_65 : vector<16xf32>
          %add3A_152 = arith.addf %gather3A, %mul3A_151 : vector<16xf32>
          %add3A_153 = arith.constant 113 : i32
          %add3A_154 = vector.broadcast %add3A_153 : i32 to vector<16xi32>
          %add3A_155 = arith.addi %iota3A, %add3A_154 : vector<16xi32>
          tpu.vector_store_idx %arg9[%broadcast_in_dim3A_84, %add3A_155], %add3A_152 : memref<32x513xf32, #tpu.memory_space<vmem>>[vector<16xi32>, vector<16xi32>], vector<16xf32>,
          %get3A_156 = arith.index_cast %add3A_83 : i32 to index
          %get3A_157 = arith.constant 128 : index
          %get3A_158 = tpu.vector_load %arg8[%get3A_156, %get3A_157] {strides = array<i32>} : memref<32x512xi32, #tpu.memory_space<vmem>>, vector<16xi32>,
          %convert_element_type3A_159 = arith.sitofp %get3A_158 : vector<16xi32> to vector<16xf32>
          %mul3A_160 = arith.mulf %convert_element_type3A_159, %sub3A_65 : vector<16xf32>
          %add3A_161 = arith.addf %gather3A, %mul3A_160 : vector<16xf32>
          %add3A_162 = arith.constant 129 : i32
          %add3A_163 = vector.broadcast %add3A_162 : i32 to vector<16xi32>
          %add3A_164 = arith.addi %iota3A, %add3A_163 : vector<16xi32>
          tpu.vector_store_idx %arg9[%broadcast_in_dim3A_84, %add3A_164], %add3A_161 : memref<32x513xf32, #tpu.memory_space<vmem>>[vector<16xi32>, vector<16xi32>], vector<16xf32>,
          %get3A_165 = arith.index_cast %add3A_83 : i32 to index
          %get3A_166 = arith.constant 144 : index
          %get3A_167 = tpu.vector_load %arg8[%get3A_165, %get3A_166] {strides = array<i32>} : memref<32x512xi32, #tpu.memory_space<vmem>>, vector<16xi32>,
          %convert_element_type3A_168 = arith.sitofp %get3A_167 : vector<16xi32> to vector<16xf32>
          %mul3A_169 = arith.mulf %convert_element_type3A_168, %sub3A_65 : vector<16xf32>
          %add3A_170 = arith.addf %gather3A, %mul3A_169 : vector<16xf32>
          %add3A_171 = arith.constant 145 : i32
          %add3A_172 = vector.broadcast %add3A_171 : i32 to vector<16xi32>
          %add3A_173 = arith.addi %iota3A, %add3A_172 : vector<16xi32>
          tpu.vector_store_idx %arg9[%broadcast_in_dim3A_84, %add3A_173], %add3A_170 : memref<32x513xf32, #tpu.memory_space<vmem>>[vector<16xi32>, vector<16xi32>], vector<16xf32>,
          %get3A_174 = arith.index_cast %add3A_83 : i32 to index
          %get3A_175 = arith.constant 160 : index
          %get3A_176 = tpu.vector_load %arg8[%get3A_174, %get3A_175] {strides = array<i32>} : memref<32x512xi32, #tpu.memory_space<vmem>>, vector<16xi32>,
          %convert_element_type3A_177 = arith.sitofp %get3A_176 : vector<16xi32> to vector<16xf32>
          %mul3A_178 = arith.mulf %convert_element_type3A_177, %sub3A_65 : vector<16xf32>
          %add3A_179 = arith.addf %gather3A, %mul3A_178 : vector<16xf32>
          %add3A_180 = arith.constant 161 : i32
          %add3A_181 = vector.broadcast %add3A_180 : i32 to vector<16xi32>
          %add3A_182 = arith.addi %iota3A, %add3A_181 : vector<16xi32>
          tpu.vector_store_idx %arg9[%broadcast_in_dim3A_84, %add3A_182], %add3A_179 : memref<32x513xf32, #tpu.memory_space<vmem>>[vector<16xi32>, vector<16xi32>], vector<16xf32>,
          %get3A_183 = arith.index_cast %add3A_83 : i32 to index
          %get3A_184 = arith.constant 176 : index
          %get3A_185 = tpu.vector_load %arg8[%get3A_183, %get3A_184] {strides = array<i32>} : memref<32x512xi32, #tpu.memory_space<vmem>>, vector<16xi32>,
          %convert_element_type3A_186 = arith.sitofp %get3A_185 : vector<16xi32> to vector<16xf32>
          %mul3A_187 = arith.mulf %convert_element_type3A_186, %sub3A_65 : vector<16xf32>
          %add3A_188 = arith.addf %gather3A, %mul3A_187 : vector<16xf32>
          %add3A_189 = arith.constant 177 : i32
          %add3A_190 = vector.broadcast %add3A_189 : i32 to vector<16xi32>
          %add3A_191 = arith.addi %iota3A, %add3A_190 : vector<16xi32>
          tpu.vector_store_idx %arg9[%broadcast_in_dim3A_84, %add3A_191], %add3A_188 : memref<32x513xf32, #tpu.memory_space<vmem>>[vector<16xi32>, vector<16xi32>], vector<16xf32>,
          %get3A_192 = arith.index_cast %add3A_83 : i32 to index
          %get3A_193 = arith.constant 192 : index
          %get3A_194 = tpu.vector_load %arg8[%get3A_192, %get3A_193] {strides = array<i32>} : memref<32x512xi32, #tpu.memory_space<vmem>>, vector<16xi32>,
          %convert_element_type3A_195 = arith.sitofp %get3A_194 : vector<16xi32> to vector<16xf32>
          %mul3A_196 = arith.mulf %convert_element_type3A_195, %sub3A_65 : vector<16xf32>
          %add3A_197 = arith.addf %gather3A, %mul3A_196 : vector<16xf32>
          %add3A_198 = arith.constant 193 : i32
          %add3A_199 = vector.broadcast %add3A_198 : i32 to vector<16xi32>
          %add3A_200 = arith.addi %iota3A, %add3A_199 : vector<16xi32>
          tpu.vector_store_idx %arg9[%broadcast_in_dim3A_84, %add3A_200], %add3A_197 : memref<32x513xf32, #tpu.memory_space<vmem>>[vector<16xi32>, vector<16xi32>], vector<16xf32>,
          %get3A_201 = arith.index_cast %add3A_83 : i32 to index
          %get3A_202 = arith.constant 208 : index
          %get3A_203 = tpu.vector_load %arg8[%get3A_201, %get3A_202] {strides = array<i32>} : memref<32x512xi32, #tpu.memory_space<vmem>>, vector<16xi32>,
          %convert_element_type3A_204 = arith.sitofp %get3A_203 : vector<16xi32> to vector<16xf32>
          %mul3A_205 = arith.mulf %convert_element_type3A_204, %sub3A_65 : vector<16xf32>
          %add3A_206 = arith.addf %gather3A, %mul3A_205 : vector<16xf32>
          %add3A_207 = arith.constant 209 : i32
          %add3A_208 = vector.broadcast %add3A_207 : i32 to vector<16xi32>
          %add3A_209 = arith.addi %iota3A, %add3A_208 : vector<16xi32>
          tpu.vector_store_idx %arg9[%broadcast_in_dim3A_84, %add3A_209], %add3A_206 : memref<32x513xf32, #tpu.memory_space<vmem>>[vector<16xi32>, vector<16xi32>], vector<16xf32>,
          %get3A_210 = arith.index_cast %add3A_83 : i32 to index
          %get3A_211 = arith.constant 224 : index
          %get3A_212 = tpu.vector_load %arg8[%get3A_210, %get3A_211] {strides = array<i32>} : memref<32x512xi32, #tpu.memory_space<vmem>>, vector<16xi32>,
          %convert_element_type3A_213 = arith.sitofp %get3A_212 : vector<16xi32> to vector<16xf32>
          %mul3A_214 = arith.mulf %convert_element_type3A_213, %sub3A_65 : vector<16xf32>
          %add3A_215 = arith.addf %gather3A, %mul3A_214 : vector<16xf32>
          %add3A_216 = arith.constant 225 : i32
          %add3A_217 = vector.broadcast %add3A_216 : i32 to vector<16xi32>
          %add3A_218 = arith.addi %iota3A, %add3A_217 : vector<16xi32>
          tpu.vector_store_idx %arg9[%broadcast_in_dim3A_84, %add3A_218], %add3A_215 : memref<32x513xf32, #tpu.memory_space<vmem>>[vector<16xi32>, vector<16xi32>], vector<16xf32>,
          %get3A_219 = arith.index_cast %add3A_83 : i32 to index
          %get3A_220 = arith.constant 240 : index
          %get3A_221 = tpu.vector_load %arg8[%get3A_219, %get3A_220] {strides = array<i32>} : memref<32x512xi32, #tpu.memory_space<vmem>>, vector<16xi32>,
          %convert_element_type3A_222 = arith.sitofp %get3A_221 : vector<16xi32> to vector<16xf32>
          %mul3A_223 = arith.mulf %convert_element_type3A_222, %sub3A_65 : vector<16xf32>
          %add3A_224 = arith.addf %gather3A, %mul3A_223 : vector<16xf32>
          %add3A_225 = arith.constant 241 : i32
          %add3A_226 = vector.broadcast %add3A_225 : i32 to vector<16xi32>
          %add3A_227 = arith.addi %iota3A, %add3A_226 : vector<16xi32>
          tpu.vector_store_idx %arg9[%broadcast_in_dim3A_84, %add3A_227], %add3A_224 : memref<32x513xf32, #tpu.memory_space<vmem>>[vector<16xi32>, vector<16xi32>], vector<16xf32>,
          %get3A_228 = arith.index_cast %add3A_83 : i32 to index
          %get3A_229 = arith.constant 256 : index
          %get3A_230 = tpu.vector_load %arg8[%get3A_228, %get3A_229] {strides = array<i32>} : memref<32x512xi32, #tpu.memory_space<vmem>>, vector<16xi32>,
          %convert_element_type3A_231 = arith.sitofp %get3A_230 : vector<16xi32> to vector<16xf32>
          %mul3A_232 = arith.mulf %convert_element_type3A_231, %sub3A_65 : vector<16xf32>
          %add3A_233 = arith.addf %gather3A, %mul3A_232 : vector<16xf32>
          %add3A_234 = arith.constant 257 : i32
          %add3A_235 = vector.broadcast %add3A_234 : i32 to vector<16xi32>
          %add3A_236 = arith.addi %iota3A, %add3A_235 : vector<16xi32>
          tpu.vector_store_idx %arg9[%broadcast_in_dim3A_84, %add3A_236], %add3A_233 : memref<32x513xf32, #tpu.memory_space<vmem>>[vector<16xi32>, vector<16xi32>], vector<16xf32>,
          %get3A_237 = arith.index_cast %add3A_83 : i32 to index
          %get3A_238 = arith.constant 272 : index
          %get3A_239 = tpu.vector_load %arg8[%get3A_237, %get3A_238] {strides = array<i32>} : memref<32x512xi32, #tpu.memory_space<vmem>>, vector<16xi32>,
          %convert_element_type3A_240 = arith.sitofp %get3A_239 : vector<16xi32> to vector<16xf32>
          %mul3A_241 = arith.mulf %convert_element_type3A_240, %sub3A_65 : vector<16xf32>
          %add3A_242 = arith.addf %gather3A, %mul3A_241 : vector<16xf32>
          %add3A_243 = arith.constant 273 : i32
          %add3A_244 = vector.broadcast %add3A_243 : i32 to vector<16xi32>
          %add3A_245 = arith.addi %iota3A, %add3A_244 : vector<16xi32>
          tpu.vector_store_idx %arg9[%broadcast_in_dim3A_84, %add3A_245], %add3A_242 : memref<32x513xf32, #tpu.memory_space<vmem>>[vector<16xi32>, vector<16xi32>], vector<16xf32>,
          %get3A_246 = arith.index_cast %add3A_83 : i32 to index
          %get3A_247 = arith.constant 288 : index
          %get3A_248 = tpu.vector_load %arg8[%get3A_246, %get3A_247] {strides = array<i32>} : memref<32x512xi32, #tpu.memory_space<vmem>>, vector<16xi32>,
          %convert_element_type3A_249 = arith.sitofp %get3A_248 : vector<16xi32> to vector<16xf32>
          %mul3A_250 = arith.mulf %convert_element_type3A_249, %sub3A_65 : vector<16xf32>
          %add3A_251 = arith.addf %gather3A, %mul3A_250 : vector<16xf32>
          %add3A_252 = arith.constant 289 : i32
          %add3A_253 = vector.broadcast %add3A_252 : i32 to vector<16xi32>
          %add3A_254 = arith.addi %iota3A, %add3A_253 : vector<16xi32>
          tpu.vector_store_idx %arg9[%broadcast_in_dim3A_84, %add3A_254], %add3A_251 : memref<32x513xf32, #tpu.memory_space<vmem>>[vector<16xi32>, vector<16xi32>], vector<16xf32>,
          %get3A_255 = arith.index_cast %add3A_83 : i32 to index
          %get3A_256 = arith.constant 304 : index
          %get3A_257 = tpu.vector_load %arg8[%get3A_255, %get3A_256] {strides = array<i32>} : memref<32x512xi32, #tpu.memory_space<vmem>>, vector<16xi32>,
          %convert_element_type3A_258 = arith.sitofp %get3A_257 : vector<16xi32> to vector<16xf32>
          %mul3A_259 = arith.mulf %convert_element_type3A_258, %sub3A_65 : vector<16xf32>
          %add3A_260 = arith.addf %gather3A, %mul3A_259 : vector<16xf32>
          %add3A_261 = arith.constant 305 : i32
          %add3A_262 = vector.broadcast %add3A_261 : i32 to vector<16xi32>
          %add3A_263 = arith.addi %iota3A, %add3A_262 : vector<16xi32>
          tpu.vector_store_idx %arg9[%broadcast_in_dim3A_84, %add3A_263], %add3A_260 : memref<32x513xf32, #tpu.memory_space<vmem>>[vector<16xi32>, vector<16xi32>], vector<16xf32>,
          %get3A_264 = arith.index_cast %add3A_83 : i32 to index
          %get3A_265 = arith.constant 320 : index
          %get3A_266 = tpu.vector_load %arg8[%get3A_264, %get3A_265] {strides = array<i32>} : memref<32x512xi32, #tpu.memory_space<vmem>>, vector<16xi32>,
          %convert_element_type3A_267 = arith.sitofp %get3A_266 : vector<16xi32> to vector<16xf32>
          %mul3A_268 = arith.mulf %convert_element_type3A_267, %sub3A_65 : vector<16xf32>
          %add3A_269 = arith.addf %gather3A, %mul3A_268 : vector<16xf32>
          %add3A_270 = arith.constant 321 : i32
          %add3A_271 = vector.broadcast %add3A_270 : i32 to vector<16xi32>
          %add3A_272 = arith.addi %iota3A, %add3A_271 : vector<16xi32>
          tpu.vector_store_idx %arg9[%broadcast_in_dim3A_84, %add3A_272], %add3A_269 : memref<32x513xf32, #tpu.memory_space<vmem>>[vector<16xi32>, vector<16xi32>], vector<16xf32>,
          %get3A_273 = arith.index_cast %add3A_83 : i32 to index
          %get3A_274 = arith.constant 336 : index
          %get3A_275 = tpu.vector_load %arg8[%get3A_273, %get3A_274] {strides = array<i32>} : memref<32x512xi32, #tpu.memory_space<vmem>>, vector<16xi32>,
          %convert_element_type3A_276 = arith.sitofp %get3A_275 : vector<16xi32> to vector<16xf32>
          %mul3A_277 = arith.mulf %convert_element_type3A_276, %sub3A_65 : vector<16xf32>
          %add3A_278 = arith.addf %gather3A, %mul3A_277 : vector<16xf32>
          %add3A_279 = arith.constant 337 : i32
          %add3A_280 = vector.broadcast %add3A_279 : i32 to vector<16xi32>
          %add3A_281 = arith.addi %iota3A, %add3A_280 : vector<16xi32>
          tpu.vector_store_idx %arg9[%broadcast_in_dim3A_84, %add3A_281], %add3A_278 : memref<32x513xf32, #tpu.memory_space<vmem>>[vector<16xi32>, vector<16xi32>], vector<16xf32>,
          %get3A_282 = arith.index_cast %add3A_83 : i32 to index
          %get3A_283 = arith.constant 352 : index
          %get3A_284 = tpu.vector_load %arg8[%get3A_282, %get3A_283] {strides = array<i32>} : memref<32x512xi32, #tpu.memory_space<vmem>>, vector<16xi32>,
          %convert_element_type3A_285 = arith.sitofp %get3A_284 : vector<16xi32> to vector<16xf32>
          %mul3A_286 = arith.mulf %convert_element_type3A_285, %sub3A_65 : vector<16xf32>
          %add3A_287 = arith.addf %gather3A, %mul3A_286 : vector<16xf32>
          %add3A_288 = arith.constant 353 : i32
          %add3A_289 = vector.broadcast %add3A_288 : i32 to vector<16xi32>
          %add3A_290 = arith.addi %iota3A, %add3A_289 : vector<16xi32>
          tpu.vector_store_idx %arg9[%broadcast_in_dim3A_84, %add3A_290], %add3A_287 : memref<32x513xf32, #tpu.memory_space<vmem>>[vector<16xi32>, vector<16xi32>], vector<16xf32>,
          %get3A_291 = arith.index_cast %add3A_83 : i32 to index
          %get3A_292 = arith.constant 368 : index
          %get3A_293 = tpu.vector_load %arg8[%get3A_291, %get3A_292] {strides = array<i32>} : memref<32x512xi32, #tpu.memory_space<vmem>>, vector<16xi32>,
          %convert_element_type3A_294 = arith.sitofp %get3A_293 : vector<16xi32> to vector<16xf32>
          %mul3A_295 = arith.mulf %convert_element_type3A_294, %sub3A_65 : vector<16xf32>
          %add3A_296 = arith.addf %gather3A, %mul3A_295 : vector<16xf32>
          %add3A_297 = arith.constant 369 : i32
          %add3A_298 = vector.broadcast %add3A_297 : i32 to vector<16xi32>
          %add3A_299 = arith.addi %iota3A, %add3A_298 : vector<16xi32>
          tpu.vector_store_idx %arg9[%broadcast_in_dim3A_84, %add3A_299], %add3A_296 : memref<32x513xf32, #tpu.memory_space<vmem>>[vector<16xi32>, vector<16xi32>], vector<16xf32>,
          %get3A_300 = arith.index_cast %add3A_83 : i32 to index
          %get3A_301 = arith.constant 384 : index
          %get3A_302 = tpu.vector_load %arg8[%get3A_300, %get3A_301] {strides = array<i32>} : memref<32x512xi32, #tpu.memory_space<vmem>>, vector<16xi32>,
          %convert_element_type3A_303 = arith.sitofp %get3A_302 : vector<16xi32> to vector<16xf32>
          %mul3A_304 = arith.mulf %convert_element_type3A_303, %sub3A_65 : vector<16xf32>
          %add3A_305 = arith.addf %gather3A, %mul3A_304 : vector<16xf32>
          %add3A_306 = arith.constant 385 : i32
          %add3A_307 = vector.broadcast %add3A_306 : i32 to vector<16xi32>
          %add3A_308 = arith.addi %iota3A, %add3A_307 : vector<16xi32>
          tpu.vector_store_idx %arg9[%broadcast_in_dim3A_84, %add3A_308], %add3A_305 : memref<32x513xf32, #tpu.memory_space<vmem>>[vector<16xi32>, vector<16xi32>], vector<16xf32>,
          %get3A_309 = arith.index_cast %add3A_83 : i32 to index
          %get3A_310 = arith.constant 400 : index
          %get3A_311 = tpu.vector_load %arg8[%get3A_309, %get3A_310] {strides = array<i32>} : memref<32x512xi32, #tpu.memory_space<vmem>>, vector<16xi32>,
          %convert_element_type3A_312 = arith.sitofp %get3A_311 : vector<16xi32> to vector<16xf32>
          %mul3A_313 = arith.mulf %convert_element_type3A_312, %sub3A_65 : vector<16xf32>
          %add3A_314 = arith.addf %gather3A, %mul3A_313 : vector<16xf32>
          %add3A_315 = arith.constant 401 : i32
          %add3A_316 = vector.broadcast %add3A_315 : i32 to vector<16xi32>
          %add3A_317 = arith.addi %iota3A, %add3A_316 : vector<16xi32>
          tpu.vector_store_idx %arg9[%broadcast_in_dim3A_84, %add3A_317], %add3A_314 : memref<32x513xf32, #tpu.memory_space<vmem>>[vector<16xi32>, vector<16xi32>], vector<16xf32>,
          %get3A_318 = arith.index_cast %add3A_83 : i32 to index
          %get3A_319 = arith.constant 416 : index
          %get3A_320 = tpu.vector_load %arg8[%get3A_318, %get3A_319] {strides = array<i32>} : memref<32x512xi32, #tpu.memory_space<vmem>>, vector<16xi32>,
          %convert_element_type3A_321 = arith.sitofp %get3A_320 : vector<16xi32> to vector<16xf32>
          %mul3A_322 = arith.mulf %convert_element_type3A_321, %sub3A_65 : vector<16xf32>
          %add3A_323 = arith.addf %gather3A, %mul3A_322 : vector<16xf32>
          %add3A_324 = arith.constant 417 : i32
          %add3A_325 = vector.broadcast %add3A_324 : i32 to vector<16xi32>
          %add3A_326 = arith.addi %iota3A, %add3A_325 : vector<16xi32>
          tpu.vector_store_idx %arg9[%broadcast_in_dim3A_84, %add3A_326], %add3A_323 : memref<32x513xf32, #tpu.memory_space<vmem>>[vector<16xi32>, vector<16xi32>], vector<16xf32>,
          %get3A_327 = arith.index_cast %add3A_83 : i32 to index
          %get3A_328 = arith.constant 432 : index
          %get3A_329 = tpu.vector_load %arg8[%get3A_327, %get3A_328] {strides = array<i32>} : memref<32x512xi32, #tpu.memory_space<vmem>>, vector<16xi32>,
          %convert_element_type3A_330 = arith.sitofp %get3A_329 : vector<16xi32> to vector<16xf32>
          %mul3A_331 = arith.mulf %convert_element_type3A_330, %sub3A_65 : vector<16xf32>
          %add3A_332 = arith.addf %gather3A, %mul3A_331 : vector<16xf32>
          %add3A_333 = arith.constant 433 : i32
          %add3A_334 = vector.broadcast %add3A_333 : i32 to vector<16xi32>
          %add3A_335 = arith.addi %iota3A, %add3A_334 : vector<16xi32>
          tpu.vector_store_idx %arg9[%broadcast_in_dim3A_84, %add3A_335], %add3A_332 : memref<32x513xf32, #tpu.memory_space<vmem>>[vector<16xi32>, vector<16xi32>], vector<16xf32>,
          %get3A_336 = arith.index_cast %add3A_83 : i32 to index
          %get3A_337 = arith.constant 448 : index
          %get3A_338 = tpu.vector_load %arg8[%get3A_336, %get3A_337] {strides = array<i32>} : memref<32x512xi32, #tpu.memory_space<vmem>>, vector<16xi32>,
          %convert_element_type3A_339 = arith.sitofp %get3A_338 : vector<16xi32> to vector<16xf32>
          %mul3A_340 = arith.mulf %convert_element_type3A_339, %sub3A_65 : vector<16xf32>
          %add3A_341 = arith.addf %gather3A, %mul3A_340 : vector<16xf32>
          %add3A_342 = arith.constant 449 : i32
          %add3A_343 = vector.broadcast %add3A_342 : i32 to vector<16xi32>
          %add3A_344 = arith.addi %iota3A, %add3A_343 : vector<16xi32>
          tpu.vector_store_idx %arg9[%broadcast_in_dim3A_84, %add3A_344], %add3A_341 : memref<32x513xf32, #tpu.memory_space<vmem>>[vector<16xi32>, vector<16xi32>], vector<16xf32>,
          %get3A_345 = arith.index_cast %add3A_83 : i32 to index
          %get3A_346 = arith.constant 464 : index
          %get3A_347 = tpu.vector_load %arg8[%get3A_345, %get3A_346] {strides = array<i32>} : memref<32x512xi32, #tpu.memory_space<vmem>>, vector<16xi32>,
          %convert_element_type3A_348 = arith.sitofp %get3A_347 : vector<16xi32> to vector<16xf32>
          %mul3A_349 = arith.mulf %convert_element_type3A_348, %sub3A_65 : vector<16xf32>
          %add3A_350 = arith.addf %gather3A, %mul3A_349 : vector<16xf32>
          %add3A_351 = arith.constant 465 : i32
          %add3A_352 = vector.broadcast %add3A_351 : i32 to vector<16xi32>
          %add3A_353 = arith.addi %iota3A, %add3A_352 : vector<16xi32>
          tpu.vector_store_idx %arg9[%broadcast_in_dim3A_84, %add3A_353], %add3A_350 : memref<32x513xf32, #tpu.memory_space<vmem>>[vector<16xi32>, vector<16xi32>], vector<16xf32>,
          %get3A_354 = arith.index_cast %add3A_83 : i32 to index
          %get3A_355 = arith.constant 480 : index
          %get3A_356 = tpu.vector_load %arg8[%get3A_354, %get3A_355] {strides = array<i32>} : memref<32x512xi32, #tpu.memory_space<vmem>>, vector<16xi32>,
          %convert_element_type3A_357 = arith.sitofp %get3A_356 : vector<16xi32> to vector<16xf32>
          %mul3A_358 = arith.mulf %convert_element_type3A_357, %sub3A_65 : vector<16xf32>
          %add3A_359 = arith.addf %gather3A, %mul3A_358 : vector<16xf32>
          %add3A_360 = arith.constant 481 : i32
          %add3A_361 = vector.broadcast %add3A_360 : i32 to vector<16xi32>
          %add3A_362 = arith.addi %iota3A, %add3A_361 : vector<16xi32>
          tpu.vector_store_idx %arg9[%broadcast_in_dim3A_84, %add3A_362], %add3A_359 : memref<32x513xf32, #tpu.memory_space<vmem>>[vector<16xi32>, vector<16xi32>], vector<16xf32>,
          %get3A_363 = arith.index_cast %add3A_83 : i32 to index
          %get3A_364 = arith.constant 496 : index
          %get3A_365 = tpu.vector_load %arg8[%get3A_363, %get3A_364] {strides = array<i32>} : memref<32x512xi32, #tpu.memory_space<vmem>>, vector<16xi32>,
          %convert_element_type3A_366 = arith.sitofp %get3A_365 : vector<16xi32> to vector<16xf32>
          %mul3A_367 = arith.mulf %convert_element_type3A_366, %sub3A_65 : vector<16xf32>
          %add3A_368 = arith.addf %gather3A, %mul3A_367 : vector<16xf32>
          %add3A_369 = arith.constant 497 : i32
          %add3A_370 = vector.broadcast %add3A_369 : i32 to vector<16xi32>
          %add3A_371 = arith.addi %iota3A, %add3A_370 : vector<16xi32>
          tpu.vector_store_idx %arg9[%broadcast_in_dim3A_84, %add3A_371], %add3A_368 : memref<32x513xf32, #tpu.memory_space<vmem>>[vector<16xi32>, vector<16xi32>], vector<16xf32>,
        }
        %scan3A_70 = arith.constant 32 : i32
        %add3A_71 = arith.constant 0 : i32
        %add3A_72 = vector.broadcast %add3A_71 : i32 to vector<16xi32>
        %add3A_73 = arith.addi %iota3A, %add3A_72 : vector<16xi32>
        tpu.vector_store_idx %arg9[%add3A_73, %broadcast_in_dim3A_33], %gather3A_64 : memref<32x513xf32, #tpu.memory_space<vmem>>[vector<16xi32>, vector<16xi32>], vector<16xf32>,
        %add3A_74 = arith.constant 16 : i32
        %add3A_75 = vector.broadcast %add3A_74 : i32 to vector<16xi32>
        %add3A_76 = arith.addi %iota3A, %add3A_75 : vector<16xi32>
        tpu.vector_store_idx %arg9[%add3A_76, %broadcast_in_dim3A_33], %gather3A_64 : memref<32x513xf32, #tpu.memory_space<vmem>>[vector<16xi32>, vector<16xi32>], vector<16xf32>,
        %add3A_77 = arith.constant 1 : i32
        %add3A_78 = arith.addi %add3A_77, %add3A_48 : i32
        "tpu.region"() ({
          %run_scoped3A = tpu.sem_alloc : memref<!tpu.dma_semaphore, #tpu.memory_space<semaphore_mem>>
          %dma_start3A = arith.constant 0 : i32
          %dma_start3A_79 = tpu.memref_slice %arg5[%select_n3A, %add3A_58, %add3A_78, %dma_start3A] : memref<8x16x513x513xf32, #tpu.memory_space<hbm>> -> memref<1x1x32x513xf32, #tpu.memory_space<hbm>>
          %dma_start3A_80 = tpu.memref_squeeze %dma_start3A_79 : memref<1x1x32x513xf32, #tpu.memory_space<hbm>> -> memref<32x513xf32, #tpu.memory_space<hbm>>
          %dma_start3A_81 = arith.constant 0 : i32
          %dma_start3A_82 = tpu.memref_slice %arg5[%select_n3A, %add3A_58, %add3A_78, %dma_start3A_81] : memref<8x16x513x513xf32, #tpu.memory_space<hbm>> -> memref<1x1x32x513xf32, #tpu.memory_space<hbm>>
          %dma_start3A_83 = tpu.memref_squeeze %dma_start3A_82 : memref<1x1x32x513xf32, #tpu.memory_space<hbm>> -> memref<32x513xf32, #tpu.memory_space<hbm>>
          tpu.enqueue_dma source(%arg9 : memref<32x513xf32, #tpu.memory_space<vmem>>) target(%dma_start3A_83 : memref<32x513xf32, #tpu.memory_space<hbm>>) target_semaphore(%run_scoped3A : memref<!tpu.dma_semaphore, #tpu.memory_space<semaphore_mem>>)
          %dma_wait3A = arith.constant 0 : i32
          %dma_wait3A_84 = tpu.memref_slice %arg5[%select_n3A, %add3A_58, %add3A_78, %dma_wait3A] : memref<8x16x513x513xf32, #tpu.memory_space<hbm>> -> memref<1x1x32x513xf32, #tpu.memory_space<hbm>>
          %dma_wait3A_85 = tpu.memref_squeeze %dma_wait3A_84 : memref<1x1x32x513xf32, #tpu.memory_space<hbm>> -> memref<32x513xf32, #tpu.memory_space<hbm>>
          %dma_wait3A_86 = arith.constant 0 : i32
          %dma_wait3A_87 = tpu.memref_slice %arg5[%select_n3A, %add3A_58, %add3A_78, %dma_wait3A_86] : memref<8x16x513x513xf32, #tpu.memory_space<hbm>> -> memref<1x1x32x513xf32, #tpu.memory_space<hbm>>
          %dma_wait3A_88 = tpu.memref_squeeze %dma_wait3A_87 : memref<1x1x32x513xf32, #tpu.memory_space<hbm>> -> memref<32x513xf32, #tpu.memory_space<hbm>>
          tpu.wait_dma2 semaphore(%run_scoped3A : memref<!tpu.dma_semaphore, #tpu.memory_space<semaphore_mem>>) src(%arg9 : memref<32x513xf32, #tpu.memory_space<vmem>>) dst(%dma_wait3A_88 : memref<32x513xf32, #tpu.memory_space<hbm>>)
          tpu.yield
        }) : () -> ()
      }
      %scan3A_53 = arith.constant 16 : i32
    }
    %scan3A_40 = arith.constant 4 : i32
    return
  }
}

</mosaic_0001>

<sc_bundles>
// kernel: kernel.3.cloned.1.call-start
scs
__scs_entry_jumppad:
0x0: {  	(pc) =	sbr.rel $0x88, $3  }
0x1: {  	(tag) =	ssettag $0x0;
	lr =	simm.s32 $0x1  }
0x2: {  	[smem:$0x3F9E] =	sst lr;
	_ =	strace $0xD0000000  }
0x3: {  	_ = 	snop  }
0x4: {  	_ = 	snop  }
0x5: {  	_ = 	snop  }
0x6: {  	_ = 	snop  }
0x7: {  	_ = 	snop  }
__scs_overlays_trampoline_lowered:
0x8: {  	[smem:$0x3FAD] =	sst s0  }
0x9: {  	[smem:$0x3FAE] =	sst s1  }
0xa: {  	[smem:$0x3FAF] =	sst s2  }
0xb: {  	[smem:$0x3FB0] =	sst s3  }
0xc: {  	[smem:$0x3FB1] =	sst s4  }
0xd: {  	[smem:$0x3FB2] =	sst s5  }
0xe: {  	[smem:$0x3FB3] =	sst s6  }
0xf: {  	[smem:$0x3FB4] =	sst s7  }
0x10: {  	[smem:$0x3FB5] =	sst s8  }
0x11: {  	[smem:$0x3FB6] =	sst s9;
	s0 =	simm.s32 @!p0 $0x0  }
0x12: {  	s1 =	sld [smem:$0x3F9C];
	s0 =	simm.s32 @p0 $0x1  }
0x13: {  	[smem:$0x3FB7] =	sst s0;
	s0 =	simm.s32 @!p1 $0x0  }
0x14: {  	s2 =	sld [smem:$0x3F9B];
	s0 =	simm.s32 @p1 $0x1  }
0x15: {  	[smem:$0x3FB8] =	sst s0;
	s0 =	simm.s32 @!p2 $0x0  }
0x16: {  	s3 =	sld [smem:$0x3FDB];
	s0 =	simm.s32 @p2 $0x1  }
0x17: {  	s4 =	simm.s32 $0x1BF5;
	[smem:$0x3FBA] =	sst s0  }
0x18: {  	s0 =	sld [smem:$0x3F9D];
	_ =	swait.ge [sflag:s4], $0x0  }
0x19: {  	s7 =	sld [smem:$0x3F9E]  }
0x1a: {  	s8 =	sadd.s32 $0xFFFFE003, lr  }
0x1b: {  	s9 =	sadd.s32 $0xFFFFFEF7, lr;
	s5 =	simm.s32 $0xFFFFFFFF;
	p2 =	slt.u32 s8, $0xFFFFF086  }
0x1c: {  	p1 =	slt.u32 s9, $0xF7A;
	s5 =	simm.s32 @!p2 $0x0  }
0x1d: {  	s5 =	simm.s32 @p1 $0x1;
	p0 =	seq.s32 s7, s2  }
0x1e: {  	s7 =	smul.u32 @!p0 $0xF7A, s2;
	p2 =	seq.s32 @!p0 s5, $0x0  }
0x1f: {  	s9 =	smul.u32 $0xF7A, s1;
	s8 =	simm.s32 @!p0 $0x1BF5;
	p2 =	por !p2, p0  }
0x20: {  	[sflag:s8] =	ssyncset.s32 @!p0 $0xFFFFF086;
	s6 =	sadd.s32 @!p0 s3, s7;
	s7 =	simm.s32 @!p0 $0x108  }
0x21: {  	s3 =	sadd.s32 s3, s9;
	s6 =	sadd.s32 @!p0 $0x88, s6;
	s7 =	simm.s32 @p2 $0x1082  }
0x22: {  	[simem:s7], [sflag:s8] =	dma.local @!p0 [hbm:s6], $0xF7A  }
0x23: {  	s9 =	sor.u32 $0xD0000000, s2;
	s6 =	simm.s32 $0x108;
	_ =	swait.ge @!p0 [sflag:s8], $0x0  }
0x24: {  	s3 =	sadd.s32 $0x88, s3;
	s6 =	simm.s32 @!p1 $0x1082;
	[sflag:s4] =	ssyncset.s32 $0xFFFFF086  }
0x25: {  	[simem:s6], [sflag:s4] =	dma.local [hbm:s3], $0xF7A  }
0x26: {  	[smem:$0x3F9E] =	sst s1;
	(tag) =	ssettag s2;
	_ =	strace s9  }
0x27: {  	s1 =	sld [smem:$0x3FAE]  }
0x28: {  	s2 =	sld [smem:$0x3FAF]  }
0x29: {  	s4 =	sld [smem:$0x3FB1]  }
0x2a: {  	p0 =	seq.s32 s5, $0x0;
	s5 =	sld [smem:$0x3FB2]  }
0x2b: {  	s6 =	sld [smem:$0x3FB3]  }
0x2c: {  	s7 =	sld [smem:$0x3FB4]  }
0x2d: {  	s3 =	simm.s32 $0x108;
	s8 =	sld [smem:$0x3FB5]  }
0x2e: {  	s3 =	simm.s32 @!p0 $0x1082;
	s9 =	sld [smem:$0x3FB6]  }
0x2f: {  	lr =	sadd.s32 s0, s3;
	s0 =	sld [smem:$0x3FAD]  }
0x30: {  	s3 =	sld [smem:$0x3FB0]  }
0x31: {  	[smem:$0x3FB9] =	sst s10  }
0x32: {  	s10 =	sld [smem:$0x3FB7];
	_ =	sdelay $0x3  }
0x33: {  	p0 =	seq.s32 s10, $0x1;
	s10 =	sld [smem:$0x3FB9];
	_ =	sdelay $0x3  }
0x34: {  	[smem:$0x3FB9] =	sst s10  }
0x35: {  	s10 =	sld [smem:$0x3FB8];
	_ =	sdelay $0x3  }
0x36: {  	p1 =	seq.s32 s10, $0x1;
	s10 =	sld [smem:$0x3FB9];
	_ =	sdelay $0x3  }
0x37: {  	[smem:$0x3FB9] =	sst s10  }
0x38: {  	s10 =	sld [smem:$0x3FBA]  }
0x39: {  	_ = 	snop;
	(pc) =	sbr.ind lr, $3  }
0x3a: {  	_ = 	snop  }
0x3b: {  	_ = 	snop  }
0x3c: {  	p2 =	seq.s32 s10, $0x1;
	s10 =	sld [smem:$0x3FB9]  }
0x3d: {  	_ =	shalt  }
0x3e: {  	_ =	shalt  }
0x3f: {  	_ =	shalt  }
0x40: {  	_ =	shalt  }
0x41: {  	_ =	shalt  }
0x42: {  	_ =	shalt  }
0x43: {  	_ =	shalt  }
0x44: {  	_ =	shalt  }
0x45: {  	_ =	shalt  }
0x46: {  	_ =	shalt  }
0x47: {  	_ =	shalt  }
0x48: {  	_ =	shalt  }
0x49: {  	_ =	shalt  }
0x4a: {  	_ =	shalt  }
0x4b: {  	_ =	shalt  }
0x4c: {  	_ =	shalt  }
0x4d: {  	_ =	shalt  }
0x4e: {  	_ =	shalt  }
0x4f: {  	_ =	shalt  }
0x50: {  	_ =	shalt  }
0x51: {  	_ =	shalt  }
0x52: {  	_ =	shalt  }
0x53: {  	_ =	shalt  }
0x54: {  	_ =	shalt  }
0x55: {  	_ =	shalt  }
0x56: {  	_ =	shalt  }
0x57: {  	_ =	shalt  }
0x58: {  	_ =	shalt  }
0x59: {  	_ =	shalt  }
0x5a: {  	_ =	shalt  }
0x5b: {  	_ =	shalt  }
0x5c: {  	_ =	shalt  }
0x5d: {  	_ =	shalt  }
0x5e: {  	_ =	shalt  }
0x5f: {  	_ =	shalt  }
0x60: {  	_ =	shalt  }
0x61: {  	_ =	shalt  }
0x62: {  	_ =	shalt  }
0x63: {  	_ =	shalt  }
0x64: {  	_ =	shalt  }
0x65: {  	_ =	shalt  }
0x66: {  	_ =	shalt  }
0x67: {  	_ =	shalt  }
0x68: {  	_ =	shalt  }
0x69: {  	_ =	shalt  }
0x6a: {  	_ =	shalt  }
0x6b: {  	_ =	shalt  }
0x6c: {  	_ =	shalt  }
0x6d: {  	_ =	shalt  }
0x6e: {  	_ =	shalt  }
0x6f: {  	_ =	shalt  }
0x70: {  	_ =	shalt  }
0x71: {  	_ =	shalt  }
0x72: {  	_ =	shalt  }
0x73: {  	_ =	shalt  }
0x74: {  	_ =	shalt  }
0x75: {  	_ =	shalt  }
0x76: {  	_ =	shalt  }
0x77: {  	_ =	shalt  }
0x78: {  	_ =	shalt  }
0x79: {  	_ =	shalt  }
0x7a: {  	_ =	shalt  }
0x7b: {  	_ =	shalt  }
0x7c: {  	_ =	shalt  }
0x7d: {  	_ =	shalt  }
0x7e: {  	_ =	shalt  }
0x7f: {  	_ =	shalt  }
0x80: {  	_ =	shalt  }
0x81: {  	_ =	shalt  }
0x82: {  	_ =	shalt  }
0x83: {  	_ =	shalt  }
0x84: {  	_ =	shalt  }
0x85: {  	_ =	shalt  }
0x86: {  	_ =	shalt  }
0x87: {  	_ =	shalt  }
.Lfunc_end0:
.L_simem_size_0:
called_computation.1_lowered:
.L_overlay_start_0:
0x88: {  	s2 =	sld [smem:$0x3FD9]  }
0x89: {  	s3 =	sld [smem:$0x3FFE];
	_ =	sdelay $0x1  }
0x8a: {  	s1 =	srdreg.scid  }
0x8b: {  	s0 =	sand.u32 $0x1, s1  }
0x8c: {  	s17 =	sshll.u32 s0, $0xA;
	s2 =	sadd.s32 s3, s2  }
0x8d: {  	s2 =	sadd.s32 s2, s17  }
0x8e: {  	[smem:$0x3FC5] =	sst s2  }
0x8f: {  	_ = 	snop  }
0x90: {  	s2 =	sld [smem:$0x3FC7]  }
0x91: {  	s18 =	sld [smem:$0x3FD0];
	(tm) =	ssettm $0x1  }
0x92: {  	s4 =	sld [smem:$0x3FFB];
	_ =	sdelay $0x3  }
0x93: {  	_ =	strace s4  }
0x94: {  	s4 =	sld [smem:$0x3FFC];
	_ =	sdelay $0x3  }
0x95: {  	_ =	strace s4  }
0x96: {  	s4 =	sld [smem:$0x3FFD];
	_ =	sdelay $0x3  }
0x97: {  	_ =	strace s4  }
0x98: {  	_ =	strace $0x8FFFFFFF  }
0x99: {  	s19 =	sld [smem:$0x3FDB];
	_ =	sdelay $0x1  }
0x9a: {  	s5 =	simm.s32 $_scs_section_size  }
0x9b: {  	s6 =	simm.s32 $_size__tile_overlayer_lowered;
	s7 =	simm.s32 $_tile_overlayer_lowered  }
0x9c: {  	s22 =	simm.s32 $0x1BFF;
	s21 =	sshll.u32 s7, $0x1;
	s4 =	sadd.s32 s5, s19  }
0x9d: {  	s8 =	simm.s32 $0x0;
	s20 =	sshll.u32 s6, $0x1;
	s6 =	sadd.s32 s21, s4  }
0x9e: {  	[timem:s8], [sflag:s22] =	dma.local [hbm:s6], s20  }
0x9f: {  	_ =	swait.ge [sflag:s22], s20  }
0xa0: {  	s5 =	ssub.s32 $0x0, s20;
	[sflag:s22] =	ssyncset.done $0x0  }
0xa1: {  	[sflag:s22] =	ssyncadd.s32 s5;
	_ =	sdelay $0x1  }
0xa2: {  	s23 =	simm.s32 $0x1B8B  }
0xa3: {  	_ =	swait.ge [sflag:s23], $0x1  }
0xa4: {  	[sflag:s23] =	ssyncset.done $0x0  }
0xa5: {  	s25 =	simm.s32 $0x1B8E;
	s24 =	sld [smem:$0x3FFE];
	[sflag:s23] =	ssyncadd.s32 $0xFFFFFFFF  }
0xa6: {  	s26 =	simm.s32 $execute0_lowered;
	[smem:$0x3FD2] =	sst s25  }
0xa7: {  	s6 =	sshll.u32 s26, $0x1;
	_ =	strace $0x80000046;
	[dreg:$0x1] =	wrdreg $0xFFFFFFFF  }
0xa8: {  	s28 =	simm.s32 $_size_execute0_lowered;
	s4 =	sadd.s32 s4, s6;
	[dreg:$0x0] =	wrdreg $0x0  }
0xa9: {  	s6 =	sshll.u32 s28, $0x1;
	[dreg:$0x2] =	wrdreg s4  }
0xaa: {  	[dreg:$0x3] =	wrdreg s6  }
0xab: {  	[dreg:$0x4] =	wrdreg $0xC0  }
0xac: {  	_ =	task [dreg:s8], $0x5FFFF  }
0xad: {  	[dreg:$0x1] =	wrdreg $0xFFFFFFFF  }
0xae: {  	[dreg:$0x0] =	wrdreg $0x60  }
0xaf: {  	[dreg:$0x2] =	wrdreg s24  }
0xb0: {  	[dreg:$0x3] =	wrdreg s2  }
0xb1: {  	[dreg:$0x4] =	wrdreg s18  }
0xb2: {  	[dreg:$0x5] =	wrdreg $0x9  }
0xb3: {  	_ =	task.clear_ibuf [dreg:s8], $0x6FFFF;
	_ =	strace $0x90000046  }
0xb4: {  	s29 =	simm.s32 $0x9;
	_ =	strace $0x80000048  }
0xb5: {  	_ =	swait.ge [sflag:s29], $0x1  }
0xb6: {  	[sflag:s29] =	ssyncadd.s32 $0xFFFFFFFF  }
0xb7: {  	_ =	strace $0x90000048  }
0xb8: {  	_ =	sfence  }
0xb9: {  	s30 =	sld [smem:$0x0];
	_ =	sdelay $0x2  }
0xba: {  	s31 =	sshll.u32 s1, $0xD;
	s1 =	sshrl.u32 s1, $0x2  }
0xbb: {  	s3 =	sand.u32 $0x4000, s31;
	s1 =	sadd.s32 s1, s30  }
0xbc: {  	s0 =	sor.u32 s3, s0;
	s1 =	sshll.u32 s1, $0x11  }
0xbd: {  	s0 =	sor.u32 s1, s0  }
0xbe: {  	s0 =	sadd.s32 $0x8F2B, s0  }
0xbf: {  	[sflag:s0] =	ssyncadd.remote.s32 $0x1  }
0xc0: {  	_ =	sfence.sel $0xFFFF  }
0xc1: {  	[dreg:$0x0] =	wrdreg $0xFFFFFFFF;
	(pc) =	sbr.abs _section_cstart, $3  }
0xc2: {  	[dreg:$0x1] =	wrdreg $0xFFFFFFFF  }
0xc3: {  	_ =	task.clear_ibuf [dreg:s8], $0x2FFFF;
	_ =	strace $0x9FFFFFFF  }
0xc4: {  	(tm) =	ssettm $0x7FFFFFFF  }
0xc5: {  	_ =	shalt  }
tec
execute0_lowered:
.L_overlay_start_1:
0x0: {  	(tag) =	ssettag $0x1  }
0x1: {  	s6 =	rddreg [dreg:$0x0]  }
0x2: {  	s1 =	rddreg [dreg:$0x1];
	v32 =	vlaneseq.u32  }
0x3: {  	s2 =	rddreg [dreg:$0x2];
	vm0 =	vmmov $0x1;
	v0 =	vadd.s32 $0x1F1, v32  }
0x4: {  	s0 =	rddreg [dreg:$0x3];
	v1 =	vadd.s32 $0x1, v32;
	v2 =	vadd.s32 $0x11, v32;
	v3 =	vadd.s32 $0x21, v32  }
0x5: {  	s3 =	simm.s32 $0x0;
	s4 =	stileid.u32;
	s8 =	srdreg.scid;
	v4 =	vadd.s32 $0x31, v32;
	v5 =	vadd.s32 $0x41, v32;
	v6 =	vadd.s32 $0x51, v32  }
0x6: {  	s14 =	simm.s32 $0x30;
	s15 =	simm.s32 $0x4030;
	s16 =	simm.s32 $0x0;
	v7 =	vadd.s32 $0x61, v32;
	v8 =	vadd.s32 $0x71, v32;
	v9 =	vadd.s32 $0x81, v32  }
0x7: {  	[smem:$0x7FF] =	sst s3;
	s7 =	sshrl.u32 s4, $0x1;
	s5 =	sadd.s32 $0xA00, s6;
	v10 =	vadd.s32 $0x91, v32;
	v11 =	vadd.s32 $0xA1, v32;
	v12 =	vadd.s32 $0xB1, v32  }
0x8: {  	s8 =	sand.u32 $0x1, s8;
	s10 =	sshll.u32 s4, $0x1;
	v13 =	vadd.s32 $0xC1, v32;
	v14 =	vadd.s32 $0xD1, v32;
	v15 =	vadd.s32 $0xE1, v32;
	_ =	strace $0x80000047  }
0x9: {  	v16 =	vadd.s32 $0xF1, v32;
	v17 =	vadd.s32 $0x101, v32;
	v18 =	vadd.s32 $0x111, v32;
	s9 =	sshll.u32 s7, $0xF;
	s30 =	ssub.s32 $0x2, s8;
	s12 =	smul.u32 $0x412080, s7  }
0xa: {  	v19 =	vadd.s32 $0x121, v32;
	v20 =	vadd.s32 $0x131, v32;
	v21 =	vadd.s32 $0x141, v32;
	s10 =	sand.u32 $0x2, s10;
	s31 =	smul.u32 $0x82410, s7;
	s11 =	sshrl.u32 s30, $0x1  }
0xb: {  	v22 =	vadd.s32 $0x151, v32;
	v23 =	vadd.s32 $0x161, v32;
	v24 =	vadd.s32 $0x171, v32;
	s9 =	sadd.s32 s9, s6;
	s13 =	sor.u32 s8, s10;
	s11 =	ssub.s32 s30, s11  }
0xc: {  	v25 =	vadd.s32 $0x181, v32;
	v26 =	vadd.s32 $0x191, v32;
	v27 =	vmul.u32 $0x208, v32;
	s6 =	sshll.u32 s13, $0x7;
	s7 =	sadd.s32 $0xC00, s9;
	s8 =	sadd.s32 $0x208, s12  }
0xd: {  	v28 =	vadd.s32 $0x1A1, v32;
	v29 =	vadd.s32 $0x1B1, v32;
	v30 =	vadd.s32 $0x1C1, v32;
	s10 =	sadd.s32 s31, s2;
	p0 =	sne.s32 s13, $0x0;
	s12 =	simm.s32 $0x20  }
0xe: {  	v31 =	vadd.s32 $0x1D1, v32;
	v32 =	vadd.s32 $0x1E1, v32;
	v33 =	vadd.s32 $0x2080, v27;
	s13 =	simm.s32 $0x8130;
	s9 =	smax.u32 s11, $0x1;
	s11 =	simm.s32 $0x1  }
.LBB2_1:
0xf: {  	[tilespmem:s3], [sflag:$0x1] =	stream.linear.gather [hbm4b:s5+s3], $0x20, $0x38;
	[tilespmem:$0x8338] =	vst v63  }
0x10: {  	_ =	swait.ge [sflag:s11], $0x20  }
0x11: {  	[sflag:s11] =	ssyncset.done $0x0  }
.Ltmp0:
0x12: {  	[sflag:s11] =	ssyncadd.s32 $0xFFFFFFE0;
	(pc) =	sbr.rel @p0 .LBB2_5-.Ltmp0, $4  }
0x13: {  	[tilespmem:s12], [sflag:$0x1] =	stream.linear.gather [hbm4b:s1+s3], $0x10, $0x38;
	[tilespmem:$0x8338] =	vst v63  }
0x14: {  	_ =	swait.ge [sflag:s11], $0x10  }
0x15: {  	[sflag:s11] =	ssyncset.done $0x0  }
0x16: {  	[sflag:s11] =	ssyncadd.s32 $0xFFFFFFF0  }
0x17: {  	v34 =	vmov s3;
	_ =	sdelay $0x4  }
0x18: {  	v34 =	vld.idx.msk [tilespmem:v34+s12+$0x0], $0xffff;
	_ =	sdelay $0x4  }
0x19: {  	[tilespmem:$0x8320] =	vst v34  }
0x1a: {  	[tilespmem:$0x8310] =	vst v34  }
0x1b: {  	[tilespmem:$0x8300] =	vst v34  }
0x1c: {  	[tilespmem:$0x82F0] =	vst v34  }
0x1d: {  	[tilespmem:$0x82E0] =	vst v34  }
0x1e: {  	v35 =	vadd.f32 v34, v34;
	[tilespmem:$0x82D0] =	vst v34  }
0x1f: {  	[tilespmem:$0x82C0] =	vst v34  }
0x20: {  	s18 =	simm.s32 $0x1;
	s19 =	smov.u32 s10;
	s17 =	smov.u32 s10;
	[tilespmem:$0x82B0] =	vst v34;
	v35 =	vsel vm0, v35, v34  }
.LBB2_3:
0x21: {  	p1 =	sne.s32 s18, $0xF  }
0x22: {  	[tilespmem:$0x82A0] =	vst v34;
	s19 =	sadd.s32 $0x8241, s19;
	s20 =	smov.u32 s18;
	s18 =	sadd.s32 $0x1, s18  }
0x23: {  	[tilespmem:$0x8290] =	vst v34  }
0x24: {  	[tilespmem:$0x8280] =	vst v34  }
0x25: {  	[tilespmem:$0x8270] =	vst v34  }
0x26: {  	[tilespmem:$0x8260] =	vst v34  }
0x27: {  	[tilespmem:$0x8250] =	vst v34  }
0x28: {  	[tilespmem:$0x8240] =	vst v34  }
0x29: {  	[tilespmem:$0x8230] =	vst v34  }
0x2a: {  	[tilespmem:$0x8220] =	vst v34  }
0x2b: {  	[tilespmem:$0x8210] =	vst v34  }
0x2c: {  	[tilespmem:$0x8200] =	vst v34  }
0x2d: {  	[tilespmem:$0x81F0] =	vst v34  }
0x2e: {  	[tilespmem:$0x81E0] =	vst v34  }
0x2f: {  	[tilespmem:$0x81D0] =	vst v34  }
0x30: {  	[tilespmem:$0x81C0] =	vst v34  }
0x31: {  	[tilespmem:$0x81B0] =	vst v34  }
0x32: {  	[tilespmem:$0x81A0] =	vst v34  }
0x33: {  	[tilespmem:$0x8190] =	vst v34  }
0x34: {  	[tilespmem:$0x8180] =	vst v34  }
0x35: {  	[tilespmem:$0x8140] =	vst v34  }
0x36: {  	[tilespmem:$0x8150] =	vst v34  }
0x37: {  	[tilespmem:$0x8160] =	vst v34  }
0x38: {  	[tilespmem:$0x8130] =	vst v35  }
0x39: {  	[tilespmem:$0x8170] =	vst v34  }
0x3a: {  	v35 =	vmov s20;
	[tilespmem:v0+s13+$0x0] =	vst.idx.msk $0xffff, v34  }
0x3b: {  	[hbm4b:s17+s3] =	stream.linear.scatter [tilespmem:s13], [sflag:$0x1], $0x208, $0x38;
	[tilespmem:$0x8338] =	vst v63  }
0x3c: {  	s17 =	smov.u32 s19;
	_ =	swait.ge [sflag:s11], $0x208  }
0x3d: {  	[sflag:s11] =	ssyncset.done $0x0  }
0x3e: {  	[sflag:s11] =	ssyncadd.s32 $0xFFFFFDF8  }
0x3f: {  	v34 =	vld.idx.msk [tilespmem:v35+s12+$0x0], $0xffff;
	_ =	sdelay $0x5  }
0x40: {  	v35 =	vadd.f32 v34, v34;
	[tilespmem:$0x8320] =	vst v34  }
0x41: {  	[tilespmem:$0x8310] =	vst v34  }
0x42: {  	v35 =	vsel vm0, v35, v34;
	[tilespmem:$0x8300] =	vst v34  }
.Ltmp1:
0x43: {  	[tilespmem:$0x82F0] =	vst v34;
	(pc) =	sbr.rel @p1 .LBB2_3-.Ltmp1, $4  }
0x44: {  	[tilespmem:$0x82E0] =	vst v34  }
0x45: {  	[tilespmem:$0x82D0] =	vst v34  }
0x46: {  	[tilespmem:$0x82C0] =	vst v34  }
0x47: {  	[tilespmem:$0x82B0] =	vst v34  }
0x48: {  	[tilespmem:$0x82A0] =	vst v34  }
0x49: {  	[tilespmem:$0x8290] =	vst v34  }
0x4a: {  	[tilespmem:$0x8280] =	vst v34  }
0x4b: {  	[tilespmem:$0x8270] =	vst v34  }
0x4c: {  	[tilespmem:$0x8260] =	vst v34  }
0x4d: {  	[tilespmem:$0x8250] =	vst v34  }
0x4e: {  	[tilespmem:$0x8240] =	vst v34  }
0x4f: {  	[tilespmem:$0x8230] =	vst v34  }
0x50: {  	[tilespmem:$0x8220] =	vst v34  }
0x51: {  	[tilespmem:$0x8210] =	vst v34  }
0x52: {  	[tilespmem:$0x8200] =	vst v34  }
0x53: {  	[tilespmem:$0x81F0] =	vst v34  }
0x54: {  	[tilespmem:$0x81E0] =	vst v34  }
0x55: {  	[tilespmem:$0x81D0] =	vst v34  }
0x56: {  	[tilespmem:$0x81C0] =	vst v34  }
0x57: {  	[tilespmem:$0x81B0] =	vst v34  }
0x58: {  	[tilespmem:$0x81A0] =	vst v34  }
0x59: {  	[tilespmem:$0x8190] =	vst v34  }
0x5a: {  	[tilespmem:$0x8180] =	vst v34  }
0x5b: {  	[tilespmem:$0x8140] =	vst v34  }
0x5c: {  	[tilespmem:$0x8150] =	vst v34  }
0x5d: {  	[tilespmem:$0x8160] =	vst v34  }
0x5e: {  	[tilespmem:$0x8130] =	vst v35  }
0x5f: {  	[tilespmem:$0x8170] =	vst v34  }
0x60: {  	[tilespmem:v0+s13+$0x0] =	vst.idx.msk $0xffff, v34  }
0x61: {  	[hbm4b:s17+s3] =	stream.linear.scatter [tilespmem:s13], [sflag:$0x1], $0x208, $0x38;
	[tilespmem:$0x8338] =	vst v63  }
0x62: {  	_ =	swait.ge [sflag:s11], $0x208  }
0x63: {  	[sflag:s11] =	ssyncset.done $0x0  }
0x64: {  	[sflag:s11] =	ssyncadd.s32 $0xFFFFFDF8  }
.LBB2_5:
0x65: {  	s17 =	simm.s32 $0x0;
	s18 =	simm.s32 $0x0  }
.LBB2_6:
0x66: {  	s19 =	sshll.u32 s18, $0x5  }
0x67: {  	s19 =	sadd.s32 s6, s19  }
0x68: {  	s20 =	sshll.u32 s19, $0x6  }
0x69: {  	s20 =	sadd.s32 s20, s7  }
0x6a: {  	[tilespmem:s14], [sflag:$0x1] =	stream.linear.gather [hbm4b:s20+s17], $0x4000, $0x38;
	[tilespmem:$0x8338] =	vst v63  }
0x6b: {  	s19 =	smul.u32 $0x208, s19;
	_ =	swait.ge [sflag:s11], $0x4000  }
0x6c: {  	[sflag:s11] =	ssyncset.done $0x0  }
0x6d: {  	s19 =	sadd.s32 s19, s8;
	s20 =	simm.s32 $0x0;
	[sflag:s11] =	ssyncadd.s32 $0xFFFFC000  }
.LBB2_7:
0x6e: {  	v34 =	vmov s20  }
0x6f: {  	v36 =	vor.u32 $0x10, v34;
	_ =	sdelay $0x2  }
0x70: {  	s21 =	simm.s32 $0x0  }
0x71: {  	v35 =	vld.idx.msk [tilespmem:v34+s21+$0x0], $0xffff  }
0x72: {  	v36 =	vld.idx.msk [tilespmem:v36+s21+$0x0], $0xffff;
	_ =	sdelay $0x4  }
0x73: {  	s22 =	simm.s32 $0x130;
	v34 =	vld.idx.msk [tilespmem:v34+s12+$0x0], $0xffff;
	v36 =	vsub.f32 v36, v35  }
.LBB2_8:
0x74: {  	v38 =	vld [tilespmem:s22+$0xFFFFFF00]  }
0x75: {  	v37 =	vmov s21  }
0x76: {  	v37 =	vmul.u32 $0x208, v37;
	_ =	sdelay $0x1  }
0x77: {  	v37 =	vbroadcast v37, $0x0  }
0x78: {  	v38 =	vcvt.s32.f32 v38  }
0x79: {  	v39 =	vadd.s32 v1, v37  }
0x7a: {  	v38 =	vmul.f32 v38, v36;
	_ =	sdelay $0x1  }
0x7b: {  	v38 =	vadd.f32 v38, v35;
	_ =	sdelay $0x1  }
0x7c: {  	[tilespmem:v39+s15+$0x0] =	vst.idx.msk $0xffff, v38  }
0x7d: {  	v38 =	vld [tilespmem:s22+$0xFFFFFF10];
	_ =	sdelay $0x4  }
0x7e: {  	v38 =	vcvt.s32.f32 v38  }
0x7f: {  	v56 =	vadd.s32 v2, v37  }
0x80: {  	v38 =	vmul.f32 v38, v36;
	_ =	sdelay $0x1  }
0x81: {  	v38 =	vadd.f32 v38, v35;
	_ =	sdelay $0x1  }
0x82: {  	[tilespmem:v56+s15+$0x0] =	vst.idx.msk $0xffff, v38  }
0x83: {  	v38 =	vld [tilespmem:s22+$0xFFFFFF20];
	_ =	sdelay $0x4  }
0x84: {  	v38 =	vcvt.s32.f32 v38  }
0x85: {  	v57 =	vadd.s32 v3, v37  }
0x86: {  	v38 =	vmul.f32 v38, v36;
	_ =	sdelay $0x1  }
0x87: {  	v38 =	vadd.f32 v38, v35;
	_ =	sdelay $0x1  }
0x88: {  	[tilespmem:v57+s15+$0x0] =	vst.idx.msk $0xffff, v38  }
0x89: {  	v38 =	vld [tilespmem:s22+$0xFFFFFF30];
	_ =	sdelay $0x4  }
0x8a: {  	v38 =	vcvt.s32.f32 v38  }
0x8b: {  	v58 =	vadd.s32 v4, v37  }
0x8c: {  	v38 =	vmul.f32 v38, v36;
	_ =	sdelay $0x1  }
0x8d: {  	v38 =	vadd.f32 v38, v35;
	_ =	sdelay $0x1  }
0x8e: {  	[tilespmem:v58+s15+$0x0] =	vst.idx.msk $0xffff, v38  }
0x8f: {  	v38 =	vld [tilespmem:s22+$0xFFFFFF40];
	_ =	sdelay $0x4  }
0x90: {  	v38 =	vcvt.s32.f32 v38  }
0x91: {  	v59 =	vadd.s32 v5, v37  }
0x92: {  	v38 =	vmul.f32 v38, v36;
	_ =	sdelay $0x1  }
0x93: {  	v38 =	vadd.f32 v38, v35;
	_ =	sdelay $0x1  }
0x94: {  	[tilespmem:v59+s15+$0x0] =	vst.idx.msk $0xffff, v38  }
0x95: {  	v38 =	vld [tilespmem:s22+$0xFFFFFF50];
	_ =	sdelay $0x4  }
0x96: {  	v38 =	vcvt.s32.f32 v38  }
0x97: {  	v60 =	vadd.s32 v6, v37  }
0x98: {  	v38 =	vmul.f32 v38, v36;
	_ =	sdelay $0x1  }
0x99: {  	v38 =	vadd.f32 v38, v35;
	_ =	sdelay $0x1  }
0x9a: {  	[tilespmem:v60+s15+$0x0] =	vst.idx.msk $0xffff, v38  }
0x9b: {  	v38 =	vld [tilespmem:s22+$0xFFFFFF60];
	_ =	sdelay $0x4  }
0x9c: {  	v38 =	vcvt.s32.f32 v38  }
0x9d: {  	v61 =	vadd.s32 v7, v37  }
0x9e: {  	v38 =	vmul.f32 v38, v36;
	_ =	sdelay $0x1  }
0x9f: {  	v38 =	vadd.f32 v38, v35;
	_ =	sdelay $0x1  }
0xa0: {  	[tilespmem:v61+s15+$0x0] =	vst.idx.msk $0xffff, v38  }
0xa1: {  	v38 =	vld [tilespmem:s22+$0xFFFFFF70];
	_ =	sdelay $0x4  }
0xa2: {  	v38 =	vcvt.s32.f32 v38  }
0xa3: {  	v62 =	vadd.s32 v8, v37  }
0xa4: {  	v38 =	vmul.f32 v38, v36;
	_ =	sdelay $0x1  }
0xa5: {  	v38 =	vadd.f32 v38, v35;
	_ =	sdelay $0x1  }
0xa6: {  	[tilespmem:v62+s15+$0x0] =	vst.idx.msk $0xffff, v38  }
0xa7: {  	v38 =	vld [tilespmem:s22+$0xFFFFFF80];
	_ =	sdelay $0x4  }
0xa8: {  	v38 =	vcvt.s32.f32 v38  }
0xa9: {  	v63 =	vadd.s32 v9, v37  }
0xaa: {  	v38 =	vmul.f32 v38, v36;
	_ =	sdelay $0x1  }
0xab: {  	v38 =	vadd.f32 v38, v35;
	_ =	sdelay $0x1  }
0xac: {  	[tilespmem:v63+s15+$0x0] =	vst.idx.msk $0xffff, v38  }
0xad: {  	v38 =	vld [tilespmem:s22+$0xFFFFFF90];
	_ =	sdelay $0x4  }
0xae: {  	v38 =	vcvt.s32.f32 v38  }
0xaf: {  	v42 =	vadd.s32 v10, v37  }
0xb0: {  	v38 =	vmul.f32 v38, v36;
	_ =	sdelay $0x1  }
0xb1: {  	v38 =	vadd.f32 v38, v35;
	_ =	sdelay $0x1  }
0xb2: {  	[tilespmem:v42+s15+$0x0] =	vst.idx.msk $0xffff, v38  }
0xb3: {  	v38 =	vld [tilespmem:s22+$0xFFFFFFA0];
	_ =	sdelay $0x4  }
0xb4: {  	v38 =	vcvt.s32.f32 v38  }
0xb5: {  	v43 =	vadd.s32 v11, v37  }
0xb6: {  	v38 =	vmul.f32 v38, v36;
	_ =	sdelay $0x1  }
0xb7: {  	v38 =	vadd.f32 v38, v35;
	_ =	sdelay $0x1  }
0xb8: {  	[tilespmem:v43+s15+$0x0] =	vst.idx.msk $0xffff, v38  }
0xb9: {  	v38 =	vld [tilespmem:s22+$0xFFFFFFB0];
	_ =	sdelay $0x4  }
0xba: {  	v38 =	vcvt.s32.f32 v38  }
0xbb: {  	v44 =	vadd.s32 v12, v37  }
0xbc: {  	v38 =	vmul.f32 v38, v36;
	_ =	sdelay $0x1  }
0xbd: {  	v38 =	vadd.f32 v38, v35;
	_ =	sdelay $0x1  }
0xbe: {  	[tilespmem:v44+s15+$0x0] =	vst.idx.msk $0xffff, v38  }
0xbf: {  	v38 =	vld [tilespmem:s22+$0xFFFFFFC0];
	_ =	sdelay $0x4  }
0xc0: {  	v38 =	vcvt.s32.f32 v38  }
0xc1: {  	v45 =	vadd.s32 v13, v37  }
0xc2: {  	v38 =	vmul.f32 v38, v36;
	_ =	sdelay $0x1  }
0xc3: {  	v38 =	vadd.f32 v38, v35;
	_ =	sdelay $0x1  }
0xc4: {  	[tilespmem:v45+s15+$0x0] =	vst.idx.msk $0xffff, v38  }
0xc5: {  	v38 =	vld [tilespmem:s22+$0xFFFFFFD0];
	_ =	sdelay $0x4  }
0xc6: {  	v38 =	vcvt.s32.f32 v38  }
0xc7: {  	v46 =	vadd.s32 v14, v37  }
0xc8: {  	v38 =	vmul.f32 v38, v36;
	_ =	sdelay $0x1  }
0xc9: {  	v38 =	vadd.f32 v38, v35;
	_ =	sdelay $0x1  }
0xca: {  	[tilespmem:v46+s15+$0x0] =	vst.idx.msk $0xffff, v38  }
0xcb: {  	v38 =	vld [tilespmem:s22+$0xFFFFFFE0];
	_ =	sdelay $0x4  }
0xcc: {  	v38 =	vcvt.s32.f32 v38  }
0xcd: {  	v47 =	vadd.s32 v15, v37  }
0xce: {  	v38 =	vmul.f32 v38, v36;
	_ =	sdelay $0x1  }
0xcf: {  	v38 =	vadd.f32 v38, v35;
	_ =	sdelay $0x1  }
0xd0: {  	[tilespmem:v47+s15+$0x0] =	vst.idx.msk $0xffff, v38  }
0xd1: {  	v38 =	vld [tilespmem:s22+$0xFFFFFFF0];
	_ =	sdelay $0x4  }
0xd2: {  	v38 =	vcvt.s32.f32 v38  }
0xd3: {  	v48 =	vadd.s32 v16, v37  }
0xd4: {  	v38 =	vmul.f32 v38, v36;
	_ =	sdelay $0x1  }
0xd5: {  	v38 =	vadd.f32 v38, v35;
	_ =	sdelay $0x1  }
0xd6: {  	[tilespmem:v48+s15+$0x0] =	vst.idx.msk $0xffff, v38  }
0xd7: {  	v38 =	vld [tilespmem:s22+$0x0];
	_ =	sdelay $0x4  }
0xd8: {  	v38 =	vcvt.s32.f32 v38  }
0xd9: {  	v49 =	vadd.s32 v17, v37  }
0xda: {  	v38 =	vmul.f32 v38, v36;
	_ =	sdelay $0x1  }
0xdb: {  	v38 =	vadd.f32 v38, v35;
	_ =	sdelay $0x1  }
0xdc: {  	[tilespmem:v49+s15+$0x0] =	vst.idx.msk $0xffff, v38  }
0xdd: {  	v38 =	vld [tilespmem:s22+$0x10];
	_ =	sdelay $0x4  }
0xde: {  	v38 =	vcvt.s32.f32 v38  }
0xdf: {  	v50 =	vadd.s32 v18, v37  }
0xe0: {  	v38 =	vmul.f32 v38, v36;
	_ =	sdelay $0x1  }
0xe1: {  	v38 =	vadd.f32 v38, v35;
	_ =	sdelay $0x1  }
0xe2: {  	[tilespmem:v50+s15+$0x0] =	vst.idx.msk $0xffff, v38  }
0xe3: {  	v38 =	vld [tilespmem:s22+$0x20];
	_ =	sdelay $0x4  }
0xe4: {  	v38 =	vcvt.s32.f32 v38  }
0xe5: {  	v51 =	vadd.s32 v19, v37  }
0xe6: {  	v38 =	vmul.f32 v38, v36;
	_ =	sdelay $0x1  }
0xe7: {  	v38 =	vadd.f32 v38, v35;
	_ =	sdelay $0x1  }
0xe8: {  	[tilespmem:v51+s15+$0x0] =	vst.idx.msk $0xffff, v38  }
0xe9: {  	v38 =	vld [tilespmem:s22+$0x30];
	_ =	sdelay $0x4  }
0xea: {  	v38 =	vcvt.s32.f32 v38  }
0xeb: {  	v52 =	vadd.s32 v20, v37  }
0xec: {  	v38 =	vmul.f32 v38, v36;
	_ =	sdelay $0x1  }
0xed: {  	v38 =	vadd.f32 v38, v35;
	_ =	sdelay $0x1  }
0xee: {  	[tilespmem:v52+s15+$0x0] =	vst.idx.msk $0xffff, v38  }
0xef: {  	v38 =	vld [tilespmem:s22+$0x40];
	_ =	sdelay $0x4  }
0xf0: {  	v38 =	vcvt.s32.f32 v38  }
0xf1: {  	v53 =	vadd.s32 v21, v37  }
0xf2: {  	v38 =	vmul.f32 v38, v36;
	_ =	sdelay $0x1  }
0xf3: {  	v38 =	vadd.f32 v38, v35;
	_ =	sdelay $0x1  }
0xf4: {  	[tilespmem:v53+s15+$0x0] =	vst.idx.msk $0xffff, v38  }
0xf5: {  	v38 =	vld [tilespmem:s22+$0x50];
	_ =	sdelay $0x4  }
0xf6: {  	v38 =	vcvt.s32.f32 v38  }
0xf7: {  	v54 =	vadd.s32 v22, v37  }
0xf8: {  	v38 =	vmul.f32 v38, v36;
	_ =	sdelay $0x1  }
0xf9: {  	v38 =	vadd.f32 v38, v35;
	_ =	sdelay $0x1  }
0xfa: {  	[tilespmem:v54+s15+$0x0] =	vst.idx.msk $0xffff, v38  }
0xfb: {  	v38 =	vld [tilespmem:s22+$0x60];
	_ =	sdelay $0x4  }
0xfc: {  	v38 =	vcvt.s32.f32 v38  }
0xfd: {  	v55 =	vadd.s32 v23, v37  }
0xfe: {  	v38 =	vmul.f32 v38, v36;
	_ =	sdelay $0x1  }
0xff: {  	v38 =	vadd.f32 v38, v35;
	_ =	sdelay $0x1  }
0x100: {  	[tilespmem:v55+s15+$0x0] =	vst.idx.msk $0xffff, v38  }
0x101: {  	v38 =	vld [tilespmem:s22+$0x70];
	_ =	sdelay $0x4  }
0x102: {  	v38 =	vcvt.s32.f32 v38  }
0x103: {  	v56 =	vadd.s32 v24, v37  }
0x104: {  	v38 =	vmul.f32 v38, v36;
	_ =	sdelay $0x1  }
0x105: {  	v38 =	vadd.f32 v38, v35;
	_ =	sdelay $0x1  }
0x106: {  	[tilespmem:v56+s15+$0x0] =	vst.idx.msk $0xffff, v38  }
0x107: {  	v38 =	vld [tilespmem:s22+$0x80];
	_ =	sdelay $0x4  }
0x108: {  	v38 =	vcvt.s32.f32 v38  }
0x109: {  	v57 =	vadd.s32 v25, v37  }
0x10a: {  	v38 =	vmul.f32 v38, v36;
	_ =	sdelay $0x1  }
0x10b: {  	v38 =	vadd.f32 v38, v35;
	_ =	sdelay $0x1  }
0x10c: {  	[tilespmem:v57+s15+$0x0] =	vst.idx.msk $0xffff, v38  }
0x10d: {  	v38 =	vld [tilespmem:s22+$0x90];
	_ =	sdelay $0x4  }
0x10e: {  	v38 =	vcvt.s32.f32 v38  }
0x10f: {  	v58 =	vadd.s32 v26, v37  }
0x110: {  	v38 =	vmul.f32 v38, v36;
	_ =	sdelay $0x1  }
0x111: {  	v38 =	vadd.f32 v38, v35;
	_ =	sdelay $0x1  }
0x112: {  	[tilespmem:v58+s15+$0x0] =	vst.idx.msk $0xffff, v38  }
0x113: {  	v38 =	vld [tilespmem:s22+$0xA0];
	_ =	sdelay $0x4  }
0x114: {  	v38 =	vcvt.s32.f32 v38  }
0x115: {  	v59 =	vadd.s32 v28, v37  }
0x116: {  	v38 =	vmul.f32 v38, v36;
	_ =	sdelay $0x1  }
0x117: {  	v38 =	vadd.f32 v38, v35;
	_ =	sdelay $0x1  }
0x118: {  	[tilespmem:v59+s15+$0x0] =	vst.idx.msk $0xffff, v38  }
0x119: {  	v38 =	vld [tilespmem:s22+$0xB0];
	_ =	sdelay $0x4  }
0x11a: {  	v38 =	vcvt.s32.f32 v38  }
0x11b: {  	v60 =	vadd.s32 v29, v37  }
0x11c: {  	v38 =	vmul.f32 v38, v36;
	_ =	sdelay $0x1  }
0x11d: {  	v38 =	vadd.f32 v38, v35;
	_ =	sdelay $0x1  }
0x11e: {  	[tilespmem:v60+s15+$0x0] =	vst.idx.msk $0xffff, v38  }
0x11f: {  	v38 =	vld [tilespmem:s22+$0xC0];
	_ =	sdelay $0x4  }
0x120: {  	v38 =	vcvt.s32.f32 v38  }
0x121: {  	v61 =	vadd.s32 v30, v37  }
0x122: {  	v38 =	vmul.f32 v38, v36;
	_ =	sdelay $0x1  }
0x123: {  	v38 =	vadd.f32 v38, v35;
	_ =	sdelay $0x1  }
0x124: {  	[tilespmem:v61+s15+$0x0] =	vst.idx.msk $0xffff, v38  }
0x125: {  	v38 =	vld [tilespmem:s22+$0xD0];
	_ =	sdelay $0x4  }
0x126: {  	v38 =	vcvt.s32.f32 v38  }
0x127: {  	v62 =	vadd.s32 v31, v37  }
0x128: {  	v38 =	vmul.f32 v38, v36;
	_ =	sdelay $0x1  }
0x129: {  	v38 =	vadd.f32 v38, v35;
	_ =	sdelay $0x1  }
0x12a: {  	[tilespmem:v62+s15+$0x0] =	vst.idx.msk $0xffff, v38  }
0x12b: {  	v38 =	vld [tilespmem:s22+$0xE0];
	_ =	sdelay $0x4  }
0x12c: {  	v38 =	vcvt.s32.f32 v38  }
0x12d: {  	v63 =	vadd.s32 v32, v37  }
0x12e: {  	v38 =	vmul.f32 v38, v36;
	_ =	sdelay $0x1  }
0x12f: {  	v38 =	vadd.f32 v38, v35;
	_ =	sdelay $0x1  }
0x130: {  	[tilespmem:v63+s15+$0x0] =	vst.idx.msk $0xffff, v38  }
0x131: {  	v38 =	vld [tilespmem:s22+$0xF0];
	_ =	sdelay $0x4  }
0x132: {  	v38 =	vcvt.s32.f32 v38  }
0x133: {  	p1 =	sne.s32 s21, $0x1F;
	v37 =	vadd.s32 v0, v37  }
.Ltmp2:
0x134: {  	v38 =	vmul.f32 v38, v36;
	(pc) =	sbr.rel @p1 .LBB2_8-.Ltmp2, $3  }
0x135: {  	_ = 	snop  }
0x136: {  	v38 =	vadd.f32 v38, v35;
	_ =	sdelay $0x1  }
0x137: {  	s21 =	sadd.s32 $0x1, s21;
	s22 =	sadd.s32 $0x200, s22;
	[tilespmem:v37+s15+$0x0] =	vst.idx.msk $0xffff, v38  }
0x138: {  	_ = 	snop  }
0x139: {  	s21 =	smul.u32 $0x41208, s20;
	_ =	sdelay $0x1  }
0x13a: {  	s20 =	sadd.s32 $0x1, s20;
	s21 =	sadd.s32 s21, s19  }
0x13b: {  	[tilespmem:v27+s15+$0x0] =	vst.idx.msk $0xffff, v34;
	p1 =	sne.s32 s20, $0x10;
	s21 =	sshrl.u32 s21, $0x3  }
.Ltmp3:
0x13c: {  	[tilespmem:v33+s15+$0x0] =	vst.idx.msk $0xffff, v34;
	s21 =	sadd.s32 s2, s21;
	(pc) =	sbr.rel @p1 .LBB2_7-.Ltmp3, $4  }
0x13d: {  	[hbm4b:s21+s3] =	stream.linear.scatter [tilespmem:s15], [sflag:$0x1], $0x4100, $0x38;
	[tilespmem:$0x8338] =	vst v63  }
0x13e: {  	_ =	swait.ge [sflag:s11], $0x4100  }
0x13f: {  	[sflag:s11] =	ssyncset.done $0x0  }
0x140: {  	[sflag:s11] =	ssyncadd.s32 $0xFFFFBF00  }
0x141: {  	s18 =	sadd.s32 $0x1, s18  }
0x142: {  	p1 =	sne.s32 s18, $0x4  }
.Ltmp4:
0x143: {  	_ = 	snop;
	(pc) =	sbr.rel @p1 .LBB2_6-.Ltmp4, $1  }
0x144: {  	_ =	sdelay $0x3  }
0x145: {  	s16 =	sadd.s32 $0x1, s16  }
0x146: {  	p1 =	sne.s32 s16, s9  }
.Ltmp5:
0x147: {  	_ = 	snop;
	(pc) =	sbr.rel @p1 .LBB2_1-.Ltmp5, $1  }
0x148: {  	_ =	sdelay $0x3  }
0x149: {  	_ =	sfence.sel $0x180000  }
0x14a: {  	[bflag:$0x0] =	sbarrier.arrive $0xFFFF  }
0x14b: {  	p0 =	sne.s32 s4, $0x0;
	_ =	strace $0x90000047  }
0x14c: {  	s0 =	sadd.s32 @!p0 $0x100000, s0;
	[bflag:$0x2] =	sbarrier.arrive $0xFFFF  }
0x14d: {  	[sflag:s0] =	ssyncadd.tile.s32 @!p0 $0x1;
	_ =	shalt  }
.Lfunc_end2:
_tile_overlayer_lowered:
.L_overlay_start_2:
0x14e: {  	(tag) =	ssettag $0x2  }
0x14f: {  	s0 =	rddreg [dreg:$0x0];
	s2 =	stileid.u32  }
0x150: {  	s1 =	rddreg [dreg:$0x1];
	p0 =	sne.s32 s2, $0x0  }
0x151: {  	s3 =	rddreg [dreg:$0x2];
	[bflag:$0x3] =	sbarrier.arrive $0xFFFF;
	s2 =	simm.s32 @!p0 $0x1C01  }
0x152: {  	[timem:s3], [sflag:s2] =	dma.local @!p0 [hbm:s0], s1  }
0x153: {  	s0 =	simm.s32 @!p0 $0x1  }
0x154: {  	_ =	swait.ge @!p0 [sflag:s0], s1  }
0x155: {  	s1 =	ssub.s32 @!p0 $0x0, s1;
	[sflag:s0] =	ssyncset.done @!p0 $0x0  }
0x156: {  	[sflag:s0] =	ssyncadd.s32 @!p0 s1  }
0x157: {  	[bflag:$0x3] =	sbarrier.arrive $0xFFFF  }
0x158: {  	_ =	shalt  }

// kernel: sparse-core-data-format-call.cloned.1.call-start
scs
called_computation_lowered:
.L_overlay_start_0:
0x0: {  	s2 =	sld [smem:$0x3FD9]  }
0x1: {  	s3 =	sld [smem:$0x3FFE];
	_ =	sdelay $0x1  }
0x2: {  	s1 =	srdreg.scid  }
0x3: {  	s0 =	sand.u32 $0x1, s1  }
0x4: {  	s18 =	sshll.u32 s0, $0xA;
	s2 =	sadd.s32 s3, s2  }
0x5: {  	s2 =	sadd.s32 s2, s18  }
0x6: {  	[smem:$0x3FC5] =	sst s2  }
0x7: {  	_ = 	snop  }
0x8: {  	s2 =	sld [smem:$0x3FD0];
	(tm) =	ssettm $0x1  }
0x9: {  	s19 =	sld [smem:$0x3FFB];
	_ =	sdelay $0x3  }
0xa: {  	_ =	strace s19  }
0xb: {  	s3 =	sld [smem:$0x3FFC];
	_ =	sdelay $0x3  }
0xc: {  	_ =	strace s3  }
0xd: {  	s3 =	sld [smem:$0x3FFD];
	_ =	sdelay $0x3  }
0xe: {  	_ =	strace s3  }
0xf: {  	_ =	strace $0x8FFFFFFF  }
0x10: {  	s20 =	sld [smem:$0x3FDB];
	_ =	sdelay $0x1  }
0x11: {  	s4 =	simm.s32 $_scs_section_size  }
0x12: {  	s5 =	simm.s32 $_size__tile_overlayer_lowered;
	s6 =	simm.s32 $_tile_overlayer_lowered  }
0x13: {  	s23 =	simm.s32 $0x1BFF;
	s22 =	sshll.u32 s6, $0x1;
	s3 =	sadd.s32 s4, s20  }
0x14: {  	s7 =	simm.s32 $0x0;
	s21 =	sshll.u32 s5, $0x1;
	s5 =	sadd.s32 s22, s3  }
0x15: {  	[timem:s7], [sflag:s23] =	dma.local [hbm:s5], s21  }
0x16: {  	_ =	swait.ge [sflag:s23], s21  }
0x17: {  	s4 =	ssub.s32 $0x0, s21;
	[sflag:s23] =	ssyncset.done $0x0  }
0x18: {  	[sflag:s23] =	ssyncadd.s32 s4;
	_ =	sdelay $0x1  }
0x19: {  	s24 =	simm.s32 $0x1B8B  }
0x1a: {  	_ =	swait.ge [sflag:s24], $0x1  }
0x1b: {  	[sflag:s24] =	ssyncset.done $0x0  }
0x1c: {  	s26 =	simm.s32 $0x1B8E;
	s25 =	sld [smem:$0x3FFE];
	[sflag:s24] =	ssyncadd.s32 $0xFFFFFFFF  }
0x1d: {  	s27 =	simm.s32 $execute0_lowered;
	[smem:$0x3FD2] =	sst s26  }
0x1e: {  	s5 =	sshll.u32 s27, $0x1;
	_ =	strace $0x80000049;
	[dreg:$0x1] =	wrdreg $0xFFFFFFFF  }
0x1f: {  	s28 =	simm.s32 $_size_execute0_lowered;
	s3 =	sadd.s32 s3, s5;
	[dreg:$0x0] =	wrdreg $0x0  }
0x20: {  	s5 =	sshll.u32 s28, $0x1;
	[dreg:$0x2] =	wrdreg s3  }
0x21: {  	[dreg:$0x3] =	wrdreg s5  }
0x22: {  	[dreg:$0x4] =	wrdreg $0xC0  }
0x23: {  	_ =	task [dreg:s7], $0x5FFFF  }
0x24: {  	[dreg:$0x1] =	wrdreg $0xFFFFFFFF  }
0x25: {  	[dreg:$0x0] =	wrdreg $0x60  }
0x26: {  	[dreg:$0x2] =	wrdreg s25  }
0x27: {  	[dreg:$0x3] =	wrdreg s2  }
0x28: {  	[dreg:$0x4] =	wrdreg $0x9  }
0x29: {  	_ =	task.clear_ibuf [dreg:s7], $0x5FFFF;
	_ =	strace $0x90000049  }
0x2a: {  	s29 =	simm.s32 $0x9;
	_ =	strace $0x8000004B  }
0x2b: {  	_ =	swait.ge [sflag:s29], $0x1  }
0x2c: {  	[sflag:s29] =	ssyncadd.s32 $0xFFFFFFFF  }
0x2d: {  	_ =	strace $0x9000004B  }
0x2e: {  	_ =	sfence  }
0x2f: {  	s30 =	sld [smem:$0x0];
	_ =	sdelay $0x2  }
0x30: {  	s31 =	sshll.u32 s1, $0xD;
	s1 =	sshrl.u32 s1, $0x2  }
0x31: {  	s3 =	sand.u32 $0x4000, s31;
	s1 =	sadd.s32 s1, s30  }
0x32: {  	s0 =	sor.u32 s3, s0;
	s1 =	sshll.u32 s1, $0x11  }
0x33: {  	s0 =	sor.u32 s1, s0  }
0x34: {  	s0 =	sadd.s32 $0x8F2B, s0  }
0x35: {  	[sflag:s0] =	ssyncadd.remote.s32 $0x1  }
0x36: {  	_ =	sfence.sel $0xFFFF  }
0x37: {  	[dreg:$0x0] =	wrdreg $0xFFFFFFFF;
	(pc) =	sbr.abs _section_cstart, $3  }
0x38: {  	[dreg:$0x1] =	wrdreg $0xFFFFFFFF  }
0x39: {  	_ =	task.clear_ibuf [dreg:s7], $0x2FFFF;
	_ =	strace $0x9FFFFFFF  }
0x3a: {  	(tm) =	ssettm $0x7FFFFFFF  }
0x3b: {  	_ =	shalt  }
tec
execute0_lowered:
.L_overlay_start_1:
0x0: {  	(tag) =	ssettag $0x1  }
0x1: {  	s1 =	srdreg.scid  }
0x2: {  	s0 =	stileid.u32;
	s5 =	rddreg [dreg:$0x0]  }
0x3: {  	s2 =	rddreg [dreg:$0x1];
	s4 =	simm.s32 $0x1;
	s7 =	simm.s32 $0x2  }
0x4: {  	s20 =	simm.s32 $0x0;
	s9 =	simm.s32 $0x1400;
	s10 =	simm.s32 $0x0  }
0x5: {  	s22 =	simm.s32 $0x0;
	s21 =	simm.s32 $0x0;
	s23 =	simm.s32 $0x0  }
0x6: {  	s11 =	simm.s32 $0x0;
	s12 =	simm.s32 $0x0;
	s1 =	sshll.u32 s1, $0x4  }
0x7: {  	s13 =	simm.s32 $0x0;
	s14 =	simm.s32 $0x0;
	s1 =	sor.u32 s0, s1  }
0x8: {  	s15 =	simm.s32 $0x0;
	s17 =	simm.s32 $0x0;
	s3 =	sand.u32 $0x18, s1  }
.Ltmp0:
0x9: {  	s19 =	simm.s32 $0x0;
	s6 =	ssub.s32 $0x200, s3;
	(pc) =	sbr.rel .LBB1_1-.Ltmp0, $4  }
0xa: {  	s1 =	rddreg [dreg:$0x2];
	_ =	strace $0x8000004A;
	s6 =	sshrl.u32 s6, $0x5  }
0xb: {  	s5 =	sadd.s32 $0x40E00, s5;
	[sflag:s4] =	ssyncpa.u1 $0x0;
	s8 =	smul.u32 $0x5, s6  }
0xc: {  	s16 =	smov.u32 s3;
	[sflag:s7] =	ssyncpa.u1 $0x0;
	s6 =	sand.u32 $0x7, s0  }
0xd: {  	s18 =	smov.u32 s6;
	s7 =	sadd.s32 $0x5, s8;
	s8 =	sadd.s32 $0x6, s8  }
.LBB1_7:
0xe: {  	p0 =	slt.u32 s19, $0x2;
	s24 =	smov.u32 s23  }
0xf: {  	s26 =	smov.u32 s17;
	s27 =	smov.u32 s18;
	s10 =	sadd.s32 $0x4000, s10  }
0x10: {  	p1 =	sgt.s32 @!p0 s23, $0x7;
	s25 =	sshra.s32 @!p0 s23, $0x1F;
	p2 =	sgt.s32 @!p0 s20, $0x200  }
0x11: {  	s28 =	simm.s32 @!p0 $0x2;
	p1 =	por !p1, p0;
	s23 =	sand.u32 @!p0 s25, s23  }
0x12: {  	s25 =	sshra.s32 @!p0 s22, $0x1F;
	s24 =	simm.s32 @p1 $0x7;
	p1 =	sgt.s32 @!p0 s22, $0x1F9  }
0x13: {  	s23 =	ssub.s32 @!p0 s24, s23;
	p1 =	por !p1, p0;
	s24 =	smov.u32 s22  }
0x14: {  	s22 =	sand.u32 @!p0 s25, s22;
	s25 =	sadd.s32 @!p0 $0xFFFFFFF9, s23;
	s24 =	simm.s32 @p1 $0x1F9  }
0x15: {  	p2 =	por !p2, p0;
	p1 =	sgt.s32 @!p0 s25, $0x0;
	s22 =	ssub.s32 @!p0 s24, s22  }
0x16: {  	s23 =	ssub.s32 @!p0 $0x8, s23;
	p1 =	por !p1, p0;
	s24 =	sadd.s32 @!p0 $0xFFFFFE07, s22  }
0x17: {  	s25 =	sshra.s32 @!p0 s20, $0x1F;
	s23 =	simm.s32 @!p1 $0x0;
	p1 =	sgt.s32 @!p0 s24, $0x7  }
0x18: {  	s22 =	ssub.s32 @!p0 $0x201, s22;
	s24 =	ssub.s32 @!p0 $0x0, s21;
	p1 =	por !p1, p0  }
0x19: {  	s21 =	smin.u32 @!p0 s21, s24;
	s24 =	smov.u32 s20;
	s20 =	sand.u32 @!p0 s25, s20  }
0x1a: {  	s25 =	smov.u32 s16;
	s24 =	simm.s32 @p2 $0x200;
	p2 =	sgt.s32 @!p0 s21, $0xF  }
0x1b: {  	s21 =	ssub.s32 @!p0 $0x10, s21;
	p2 =	por !p2, p0;
	s20 =	ssub.s32 @!p0 s24, s20  }
0x1c: {  	s22 =	simm.s32 @!p1 $0x0;
	s21 =	simm.s32 @!p2 $0x0;
	s24 =	sadd.s32 @!p0 $0xFFFFFE00, s20  }
0x1d: {  	p1 =	sgt.s32 @!p0 s24, $0x7F;
	s21 =	smul.u32 @!p0 s23, s21;
	s24 =	sadd.s32 $0x80, s15  }
0x1e: {  	s20 =	ssub.s32 @!p0 $0x280, s20;
	s23 =	sadd.s32 $0x20, s16;
	p2 =	sgt.s32 s24, $0x200  }
0x1f: {  	p1 =	por !p1, p0;
	s21 =	smul.u32 @!p0 s22, s21;
	s25 =	smov.u32 @p2 s23  }
0x20: {  	s20 =	simm.s32 @!p1 $0x0;
	s22 =	sadd.s32 $0x10, s17;
	p1 =	sgt.s32 s25, $0x200  }
0x21: {  	s24 =	simm.s32 @p2 $0x0;
	s23 =	smov.u32 s14;
	s26 =	smov.u32 @p1 s22  }
0x22: {  	s20 =	smul.u32 @!p0 s20, s21;
	s21 =	sadd.s32 $0x8, s18;
	p2 =	sgt.s32 s26, $0xF  }
0x23: {  	s14 =	smov.u32 s18;
	s25 =	smov.u32 @p1 s3;
	s27 =	smov.u32 @p2 s21  }
0x24: {  	s22 =	smov.u32 s12;
	s12 =	smov.u32 s16;
	p1 =	sgt.s32 s27, $0x7  }
0x25: {  	s16 =	smov.u32 s25;
	s27 =	smov.u32 @p1 s6;
	p1 =	sne.s32 s19, s8  }
.Ltmp1:
0x26: {  	s20 =	sand.u32 @!p0 $0x3FFFFFFF, s20;
	s26 =	simm.s32 @p2 $0x0;
	(pc) =	sbr.rel @!p1 .LBB1_8-.Ltmp1, $4  }
0x27: {  	s21 =	smov.u32 s13;
	s13 =	smov.u32 s17;
	_ =	swait.ge @!p0 [sflag:s28], s20  }
0x28: {  	s29 =	ssub.s32 @!p0 $0x0, s20;
	s20 =	smov.u32 s11;
	s11 =	smov.u32 s15  }
0x29: {  	s15 =	smov.u32 s24;
	s17 =	smov.u32 s26;
	[sflag:s28] =	ssyncset.done @!p0 $0x0  }
0x2a: {  	s19 =	sadd.s32 $0x1, s19;
	[sflag:s28] =	ssyncadd.s32 @!p0 s29;
	s18 =	smov.u32 s27  }
.LBB1_1:
0x2b: {  	p0 =	sge.u32 s19, s7  }
0x2c: {  	s24 =	sshrl.u32 @!p0 s16, $0x3  }
0x2d: {  	s25 =	sshll.u32 @!p0 s15, $0x3;
	s24 =	smul.u32 @!p0 $0x1400, s24  }
0x2e: {  	s26 =	sshll.u32 @!p0 s16, $0x7;
	s25 =	sand.u32 @!p0 $0xFFFFFC00, s25  }
0x2f: {  	s24 =	sadd.s32 @!p0 s24, s25;
	s25 =	sand.u32 @!p0 $0x380, s26  }
0x30: {  	s26 =	sand.u32 @!p0 $0x7F, s15;
	s24 =	sor.u32 @!p0 s25, s24  }
0x31: {  	s25 =	sor.u32 @!p0 s26, s24;
	s24 =	smulhi.u32 @!p0 $0xCCCCCCCD, s24;
	_ =	sdelay $0x1  }
0x32: {  	s26 =	smulhi.u32 @!p0 $0xCCCCCCCD, s25;
	s24 =	sshrl.u32 @!p0 s24, $0x9  }
0x33: {  	s27 =	smulhi.u32 @!p0 $0x7E07E1, s24  }
0x34: {  	s29 =	smul.u32 @!p0 $0xA2800, s18  }
0x35: {  	s26 =	sshrl.u32 @!p0 s26, $0x9;
	s27 =	smul.u32 @!p0 $0x208, s27  }
0x36: {  	s28 =	sxor.u32 @!p0 $0xFFFFFFFF, s19;
	s26 =	smul.u32 @!p0 $0x280, s26  }
0x37: {  	s28 =	sshll.u32 @!p0 s28, $0xE;
	s24 =	ssub.s32 @!p0 s24, s27;
	s27 =	smul.u32 @!p0 $0xA280, s17  }
0x38: {  	s25 =	ssub.s32 @!p0 s25, s26;
	s26 =	sadd.s32 @!p0 s5, s29;
	s24 =	smul.u32 @!p0 $0x50, s24  }
0x39: {  	s28 =	sand.u32 @!p0 $0x4000, s28;
	s26 =	sadd.s32 @!p0 s27, s26;
	s27 =	sand.u32 @!p0 $0x7, s25  }
0x3a: {  	s25 =	sshrl.u32 @!p0 s25, $0x3;
	s24 =	sadd.s32 @!p0 s24, s26;
	s26 =	sshll.u32 @!p0 s27, $0x12  }
0x3b: {  	s24 =	sadd.s32 @!p0 s25, s24;
	s25 =	sor.u32 @!p0 $0x400, s26;
	s26 =	simm.s32 @!p0 $0x51400  }
0x3c: {  	[tilespmem:s28], [sflag:$0x1] =	stream.strided.gather @!p0 [hbm4b:s24+s25], $0x4000, s26, s25, $0x38;
	[tilespmem:$0x10000] =	vst v63  }
0x3d: {  	p0 =	seq.s32 s19, $0x0  }
0x3e: {  	p1 =	sge.u32 @!p0 s19, s8  }
0x3f: {  	p0 =	por p0, p1  }
.Ltmp2:
0x40: {  	_ = 	snop;
	(pc) =	sbr.rel @p0 .LBB1_7-.Ltmp2, $1  }
0x41: {  	_ =	sdelay $0x3  }
0x42: {  	s24 =	sand.u32 $0x4000, s10  }
0x43: {  	_ =	swait.ge [sflag:s4], $0x4000;
	s27 =	sshll.u32 s19, $0xE;
	s25 =	sor.u32 $0x8040, s24  }
0x44: {  	s26 =	sor.u32 $0x40, s24;
	[sflag:s4] =	ssyncset.done $0x0;
	s31 =	sand.u32 $0x4000, s27  }
0x45: {  	s27 =	simm.s32 $0x0;
	[sflag:s4] =	ssyncadd.s32 $0xFFFFC000;
	s24 =	sor.u32 $0x8000, s31  }
.LBB1_3:
0x46: {  	v0 =	vmov s26;
	_ =	sdelay $0x3  }
0x47: {  	s29 =	simm.s32 $0x0  }
0x48: {  	v6 =	vld.idx.msk [tilespmem:v0+s29+$0x30 ss:$0x1], $0xffff  }
0x49: {  	v7 =	vld.idx.msk [tilespmem:v0+s29+$0xFFFFFFC0 ss:$0x1], $0xffff  }
0x4a: {  	v5 =	vld.idx.msk [tilespmem:v0+s29+$0xFFFFFFD0 ss:$0x1], $0xffff  }
0x4b: {  	v4 =	vld.idx.msk [tilespmem:v0+s29+$0xFFFFFFE0 ss:$0x1], $0xffff  }
0x4c: {  	v3 =	vld.idx.msk [tilespmem:v0+s29+$0xFFFFFFF0 ss:$0x1], $0xffff  }
0x4d: {  	v1 =	vld.idx.msk [tilespmem:v0+s29+$0x0 ss:$0x1], $0xffff  }
0x4e: {  	v2 =	vld.idx.msk [tilespmem:v0+s29+$0x10 ss:$0x1], $0xffff;
	[tilespmem:s25+$0x30] =	vst v6  }
0x4f: {  	s28 =	simm.s32 $0x80;
	s30 =	simm.s32 $0x400;
	[tilespmem:s25+$0xFFFFFFC0] =	vst v7;
	v6 =	vld.idx.msk [tilespmem:v0+s29+$0x20 ss:$0x1], $0xffff;
	s29 =	smov.u32 s25  }
.LBB1_4:
0x50: {  	p0 =	sne.s32 s30, $0xE00;
	v7 =	vld.idx.msk [tilespmem:v0+s28+$0x30 ss:$0x1], $0xffff;
	[tilespmem:s29+$0xFFFFFFD0] =	vst v5  }
0x51: {  	v8 =	vld.idx.msk [tilespmem:v0+s28+$0xFFFFFFC0 ss:$0x1], $0xffff;
	[tilespmem:s29+$0xFFFFFFE0] =	vst v4  }
0x52: {  	v5 =	vld.idx.msk [tilespmem:v0+s28+$0xFFFFFFD0 ss:$0x1], $0xffff;
	[tilespmem:s29+$0xFFFFFFF0] =	vst v3  }
.Ltmp3:
0x53: {  	v4 =	vld.idx.msk [tilespmem:v0+s28+$0xFFFFFFE0 ss:$0x1], $0xffff;
	[tilespmem:s29+$0x0] =	vst v1;
	(pc) =	sbr.rel @p0 .LBB1_4-.Ltmp3, $4  }
0x54: {  	v3 =	vld.idx.msk [tilespmem:v0+s28+$0xFFFFFFF0 ss:$0x1], $0xffff;
	[tilespmem:s29+$0x10] =	vst v2  }
0x55: {  	v1 =	vld.idx.msk [tilespmem:v0+s28+$0x0 ss:$0x1], $0xffff;
	[tilespmem:s29+$0x20] =	vst v6;
	s29 =	sadd.s32 $0x800, s29  }
0x56: {  	v2 =	vld.idx.msk [tilespmem:v0+s28+$0x10 ss:$0x1], $0xffff;
	[tilespmem:s29+$0x30] =	vst v7  }
0x57: {  	[tilespmem:s29+$0xFFFFFFC0] =	vst v8;
	v6 =	vld.idx.msk [tilespmem:v0+s28+$0x20 ss:$0x1], $0xffff;
	s28 =	sshra.s32 s30, $0x2;
	s30 =	sadd.s32 $0x200, s30  }
0x58: {  	_ =	sdelay $0x2  }
0x59: {  	[tilespmem:s29+$0xFFFFFFD0] =	vst v5  }
0x5a: {  	v56 =	vld.idx.msk [tilespmem:v0+s28+$0x30 ss:$0x1], $0xffff;
	[tilespmem:s29+$0xFFFFFFE0] =	vst v4  }
0x5b: {  	v57 =	vld.idx.msk [tilespmem:v0+s28+$0xFFFFFFC0 ss:$0x1], $0xffff;
	[tilespmem:s29+$0xFFFFFFF0] =	vst v3  }
0x5c: {  	v58 =	vld.idx.msk [tilespmem:v0+s28+$0xFFFFFFD0 ss:$0x1], $0xffff;
	[tilespmem:s29+$0x0] =	vst v1  }
0x5d: {  	v59 =	vld.idx.msk [tilespmem:v0+s28+$0xFFFFFFE0 ss:$0x1], $0xffff;
	[tilespmem:s29+$0x10] =	vst v2  }
0x5e: {  	v60 =	vld.idx.msk [tilespmem:v0+s28+$0xFFFFFFF0 ss:$0x1], $0xffff;
	s31 =	sadd.s32 $0x800, s29;
	[tilespmem:s29+$0x20] =	vst v6  }
0x5f: {  	v61 =	vld.idx.msk [tilespmem:v0+s28+$0x0 ss:$0x1], $0xffff;
	[tilespmem:s31+$0x30] =	vst v56  }
0x60: {  	v62 =	vld.idx.msk [tilespmem:v0+s28+$0x10 ss:$0x1], $0xffff;
	s27 =	sadd.s32 $0x1, s27;
	[tilespmem:s31+$0xFFFFFFC0] =	vst v57  }
0x61: {  	v63 =	vld.idx.msk [tilespmem:v0+s28+$0x20 ss:$0x1], $0xffff;
	p0 =	sne.s32 s27, $0x10;
	[tilespmem:s31+$0xFFFFFFD0] =	vst v58  }
.Ltmp4:
0x62: {  	[tilespmem:s31+$0xFFFFFFE0] =	vst v59;
	(pc) =	sbr.rel @p0 .LBB1_3-.Ltmp4, $4  }
0x63: {  	[tilespmem:s31+$0xFFFFFFF0] =	vst v60  }
0x64: {  	[tilespmem:s31+$0x0] =	vst v61  }
0x65: {  	[tilespmem:s31+$0x10] =	vst v62  }
0x66: {  	s25 =	sadd.s32 $0x80, s25;
	s26 =	sadd.s32 $0x400, s26;
	[tilespmem:s31+$0x20] =	vst v63  }
0x67: {  	s25 =	sshrl.u32 s13, $0x3  }
0x68: {  	s26 =	sshll.u32 s11, $0x3;
	s25 =	smul.u32 $0x1400, s25  }
0x69: {  	s27 =	sshll.u32 s13, $0x7;
	p0 =	sgt.s32 s14, $0x7;
	s26 =	sand.u32 $0xFFFFFC00, s26  }
0x6a: {  	s28 =	smov.u32 s14;
	s29 =	sand.u32 $0x380, s27;
	s25 =	sadd.s32 s25, s26  }
0x6b: {  	s30 =	sand.u32 $0x7F, s11;
	s28 =	simm.s32 @!p0 $0x7;
	s25 =	sor.u32 s29, s25  }
0x6c: {  	p0 =	sgt.s32 s12, $0x1F9;
	s29 =	sshra.s32 s14, $0x1F;
	s26 =	sor.u32 s30, s25  }
0x6d: {  	s29 =	sand.u32 s29, s14;
	s30 =	sshra.s32 s12, $0x1F;
	s25 =	smulhi.u32 $0xCCCCCCCD, s25  }
0x6e: {  	s27 =	smulhi.u32 $0xCCCCCCCD, s26;
	s28 =	ssub.s32 s28, s29;
	s29 =	smov.u32 s12  }
0x6f: {  	s30 =	sand.u32 s30, s12;
	s31 =	sadd.s32 $0xFFFFFFF9, s28;
	s29 =	simm.s32 @!p0 $0x1F9  }
0x70: {  	s28 =	ssub.s32 $0x8, s28;
	s25 =	sshrl.u32 s25, $0x9;
	s27 =	sshrl.u32 s27, $0x9  }
0x71: {  	p0 =	sgt.s32 s31, $0x0;
	s29 =	ssub.s32 s29, s30;
	s31 =	ssub.s32 $0x0, s13  }
0x72: {  	s25 =	sand.u32 $0xF, s25;
	s28 =	simm.s32 @p0 $0x0;
	s30 =	sadd.s32 $0xFFFFFE07, s29  }
0x73: {  	s29 =	ssub.s32 $0x201, s29;
	s31 =	smin.u32 s13, s31;
	p0 =	sgt.s32 s30, $0x7  }
0x74: {  	s30 =	ssub.s32 $0x10, s31;
	s29 =	simm.s32 @p0 $0x0;
	p0 =	sgt.s32 s31, $0xF  }
0x75: {  	s27 =	smul.u32 $0x280, s27;
	s31 =	smov.u32 s11;
	s30 =	simm.s32 @p0 $0x0  }
0x76: {  	p0 =	sgt.s32 s11, $0x200;
	s28 =	smul.u32 s28, s30;
	s30 =	sshra.s32 s11, $0x1F  }
0x77: {  	s25 =	smul.u32 $0x50, s25;
	s31 =	simm.s32 @!p0 $0x200;
	s30 =	sand.u32 s30, s11  }
0x78: {  	s26 =	ssub.s32 s26, s27;
	s27 =	ssub.s32 s31, s30;
	s28 =	smul.u32 s29, s28  }
0x79: {  	s30 =	smul.u32 $0xA0500, s14;
	s31 =	sadd.s32 $0xFFFFFE00, s27  }
0x7a: {  	s27 =	ssub.s32 $0x280, s27;
	p0 =	sgt.s32 s31, $0x7F;
	s31 =	smul.u32 $0x500, s12  }
.Ltmp5:
0x7b: {  	s30 =	sadd.s32 s2, s30;
	s27 =	simm.s32 @p0 $0x0;
	(pc) =	sbr.rel .LBB1_7-.Ltmp5, $4  }
0x7c: {  	s27 =	smul.u32 s27, s28;
	s30 =	sadd.s32 s31, s30;
	s31 =	sand.u32 $0x7, s26  }
0x7d: {  	s26 =	sshrl.u32 s26, $0x3;
	s25 =	sadd.s32 s25, s30;
	s30 =	sshll.u32 s31, $0x12  }
0x7e: {  	s27 =	sand.u32 $0x3FFFFFFF, s27;
	s25 =	sadd.s32 s26, s25;
	s31 =	sor.u32 $0x400, s30  }
0x7f: {  	[hbm4b:s25+s31] =	stream.strided.scatter [tilespmem:s24], [sflag:$0x2], s27, s9, s31, $0x38;
	[tilespmem:$0x10000] =	vst v63  }
.LBB1_8:
0x80: {  	_ =	sfence.sel $0x180000  }
0x81: {  	s2 =	simm.s32 $0x1;
	[bflag:$0x0] =	sbarrier.arrive $0xFFFF  }
0x82: {  	s31 =	simm.s32 $0x2;
	[sflag:s2] =	ssyncpa.u1 $0x1  }
0x83: {  	[sflag:s31] =	ssyncpa.u1 $0x1  }
0x84: {  	p0 =	sne.s32 s0, $0x0;
	_ =	strace $0x9000004A  }
0x85: {  	s0 =	sadd.s32 @!p0 $0x100000, s1;
	[bflag:$0x2] =	sbarrier.arrive $0xFFFF  }
0x86: {  	[sflag:s0] =	ssyncadd.tile.s32 @!p0 $0x1;
	_ =	shalt  }
.Lfunc_end1:
_tile_overlayer_lowered:
.L_overlay_start_2:
0x87: {  	(tag) =	ssettag $0x2  }
0x88: {  	s0 =	rddreg [dreg:$0x0];
	s2 =	stileid.u32  }
0x89: {  	s1 =	rddreg [dreg:$0x1];
	p0 =	sne.s32 s2, $0x0  }
0x8a: {  	s3 =	rddreg [dreg:$0x2];
	[bflag:$0x3] =	sbarrier.arrive $0xFFFF;
	s2 =	simm.s32 @!p0 $0x1C01  }
0x8b: {  	[timem:s3], [sflag:s2] =	dma.local @!p0 [hbm:s0], s1  }
0x8c: {  	s0 =	simm.s32 @!p0 $0x1  }
0x8d: {  	_ =	swait.ge @!p0 [sflag:s0], s1  }
0x8e: {  	s1 =	ssub.s32 @!p0 $0x0, s1;
	[sflag:s0] =	ssyncset.done @!p0 $0x0  }
0x8f: {  	[sflag:s0] =	ssyncadd.s32 @!p0 s1  }
0x90: {  	[bflag:$0x3] =	sbarrier.arrive $0xFFFF  }
0x91: {  	_ =	shalt  }

</sc_bundles>
